<compile_context>
chip_gen: v7x
topology: tpu7x:2x2x1
jax: 0.10.2.dev20260603
libtpu: 0.0.44.dev20260713+nightly
codegen_flags: <defaults>
</compile_context>

<pallas_src>
import functools

import jax
import jax.numpy as jnp
from jax import lax
from jax.experimental import pallas as pl
from jax.experimental.pallas import tpu as pltpu
from jax.experimental.pallas import tpu_sc as plsc

B = 2
N = 8192
S = 2048
K = 16
CIN = 128
CO = 256
CF = 144
TS_KNN = 256
TS_MLP = 128
NWORK = 32
ROWS_PER_GATHER = 128



def _fps_body(xyz_ref, xr_ref, nx_ref):
    rows, cols = 8, N // 8
    xs = [[xyz_ref[b, c] for c in range(3)] for b in range(B)]
    gidx = (lax.broadcasted_iota(jnp.int32, (rows, cols), 0) * cols
            + lax.broadcasted_iota(jnp.int32, (rows, cols), 1))

    def body(i, state):
        d0, d1, f0, f1 = state
        dists = (d0, d1)
        fars = (f0, f1)
        new_d = []
        new_f = []
        for b in range(B):
            c = xr_ref[b, pl.ds(fars[b], 1), :]
            nx_ref[b, pl.ds(i, 1), :] = c
            d = (((xs[b][0] - c[:, 0:1]) ** 2 + (xs[b][1] - c[:, 1:2]) ** 2)
                 + (xs[b][2] - c[:, 2:3]) ** 2)
            dd = jnp.minimum(dists[b], d)
            m = jnp.max(dd)
            far = jnp.min(jnp.where(dd == m, gidx, N))
            new_d.append(dd)
            new_f.append(far)
        return new_d[0], new_d[1], new_f[0], new_f[1]

    dists0 = jnp.full((rows, cols), 1e10, dtype=jnp.float32)
    zero = jnp.int32(0)
    lax.fori_loop(0, S, body, (dists0, dists0, zero, zero))


def _fps(xyz, x_rows):
    xyzf = xyz.reshape(B, 3, 8, N // 8)
    return pl.pallas_call(
        _fps_body,
        out_shape=jax.ShapeDtypeStruct((B, S, 3), jnp.float32),
    )(xyzf, x_rows)



def _knn_body(q_ref, xyz_ref, idx_ref):
    b = pl.program_id(0)
    p0 = xyz_ref[0, 0]
    p1 = xyz_ref[0, 1]
    p2c = xyz_ref[0, 2]
    psq = ((p0 ** 2 + p1 ** 2) + p2c ** 2)[None, :]
    q = q_ref[0]
    qsq = ((q[:, 0] ** 2 + q[:, 1] ** 2) + q[:, 2] ** 2)[:, None]
    bq = q.astype(jnp.bfloat16)
    bp = xyz_ref[0].astype(jnp.bfloat16)
    e = lax.dot_general(bq, bp, (((1,), (0,)), ((), ())),
                        preferred_element_type=jnp.float32)
    dd = (qsq + psq) - 2.0 * e
    iota = lax.broadcasted_iota(jnp.int32, (TS_KNN, N), 1)
    base = b * N
    inf = jnp.float32(jnp.inf)

    for k in range(K):
        m = jnp.min(dd, axis=1, keepdims=True)
        pos = jnp.min(jnp.where(dd == m, iota, N), axis=1, keepdims=True)
        idx_ref[0, :, k] = (pos + base)[:, 0]
        dd = jnp.where(iota == pos, inf, dd)


def _knn(new_xyz_t, xyz):
    return pl.pallas_call(
        _knn_body,
        grid=(B, S // TS_KNN),
        in_specs=[
            pl.BlockSpec((1, TS_KNN, 3), lambda b, j: (b, j, 0)),
            pl.BlockSpec((1, 3, N), lambda b, j: (b, 0, 0)),
        ],
        out_specs=pl.BlockSpec((1, TS_KNN, K), lambda b, j: (b, j, 0)),
        out_shape=jax.ShapeDtypeStruct((B, S, K), jnp.int32),
        compiler_params=pltpu.CompilerParams(
            dimension_semantics=("parallel", "parallel")),
    )(new_xyz_t, xyz)



def _gather_sc(table, idx2d):
    total = B * S * K
    per_w = total // NWORK
    n_ch = per_w // ROWS_PER_GATHER
    mesh = plsc.VectorSubcoreMesh(core_axis_name="c", subcore_axis_name="s")

    @functools.partial(
        pl.kernel,
        mesh=mesh,
        out_type=jax.ShapeDtypeStruct((total, CF), jnp.float32),
        scratch_types=[
            pltpu.VMEM((n_ch, ROWS_PER_GATHER), jnp.int32),
            pltpu.VMEM((ROWS_PER_GATHER, CF), jnp.float32),
            pltpu.VMEM((ROWS_PER_GATHER, CF), jnp.float32),
            pltpu.SemaphoreType.DMA,
            pltpu.SemaphoreType.DMA,
        ],
        compiler_params=pltpu.CompilerParams(use_tc_tiling_on_sc=False),
    )
    def k(table_hbm, idx_hbm, out_hbm, idx_v, rows_a, rows_b, sem_a, sem_b):
        wid = lax.axis_index("s") * 2 + lax.axis_index("c")
        base = wid * per_w
        pltpu.sync_copy(idx_hbm.at[pl.ds(wid * n_ch, n_ch)], idx_v)
        bufs = ((rows_a, sem_a), (rows_b, sem_b))

        def issue(j):
            buf, sem = bufs[j % 2]
            return pltpu.async_copy(table_hbm.at[idx_v.at[j]], buf, sem), buf

        pending = {0: issue(0)}
        for j in range(n_ch):
            cp, buf = pending.pop(j)
            if j + 1 < n_ch:
                pending[j + 1] = issue(j + 1)
            cp.wait()
            pltpu.sync_copy(buf, out_hbm.at[pl.ds(base + j * ROWS_PER_GATHER,
                                                  ROWS_PER_GATHER)])

    return k(table, idx2d)



def _mlp_body(gf_ref, nx_ref, w_ref, b_ref, hmax_ref, hmin_ref, sums_ref):
    j = pl.program_id(1)
    X = gf_ref[0]
    corr = nx_ref[0]
    sub3 = jnp.concatenate([corr] * K, axis=0)
    zeros_l = jnp.zeros((TS_MLP * K, CIN), jnp.float32)
    zeros_r = jnp.zeros((TS_MLP * K, CF - CIN - 3), jnp.float32)
    sub = jnp.concatenate([zeros_l, sub3, zeros_r], axis=1)
    Y = (X - sub).astype(jnp.bfloat16)
    h = lax.dot_general(Y, w_ref[...], (((1,), (0,)), ((), ())),
                        preferred_element_type=jnp.float32)
    h = h + b_ref[...]
    hmax = h[0:TS_MLP]
    hmin = h[0:TS_MLP]
    for k in range(1, K):
        blk = h[k * TS_MLP:(k + 1) * TS_MLP]
        hmax = jnp.maximum(hmax, blk)
        hmin = jnp.minimum(hmin, blk)
    hmax_ref[0] = hmax
    hmin_ref[0] = hmin
    s1 = jnp.sum(h, axis=0, keepdims=True)
    s2 = jnp.sum(h * h, axis=0, keepdims=True)
    part = jnp.concatenate([s1, s2], axis=0)[None]

    @pl.when(j == 0)
    def _():
        sums_ref[...] = jnp.zeros_like(sums_ref)

    sums_ref[...] += part


def _mlp(gf3, nxt, wt_bf, b2):
    return pl.pallas_call(
        _mlp_body,
        grid=(B, S // TS_MLP),
        in_specs=[
            pl.BlockSpec((1, TS_MLP * K, CF), lambda b, j: (b, j, 0)),
            pl.BlockSpec((1, TS_MLP, 3), lambda b, j: (b, j, 0)),
            pl.BlockSpec((CF, CO), lambda b, j: (0, 0)),
            pl.BlockSpec((1, CO), lambda b, j: (0, 0)),
        ],
        out_specs=[
            pl.BlockSpec((1, TS_MLP, CO), lambda b, j: (b, j, 0)),
            pl.BlockSpec((1, TS_MLP, CO), lambda b, j: (b, j, 0)),
            pl.BlockSpec((1, 2, CO), lambda b, j: (b, 0, 0)),
        ],
        out_shape=[
            jax.ShapeDtypeStruct((B, S, CO), jnp.float32),
            jax.ShapeDtypeStruct((B, S, CO), jnp.float32),
            jax.ShapeDtypeStruct((B, 2, CO), jnp.float32),
        ],
        compiler_params=pltpu.CompilerParams(
            dimension_semantics=("parallel", "arbitrary")),
    )(gf3, nxt, wt_bf, b2)



def _fin_body(hmax_ref, hmin_ref, sums_ref, g_ref, be_ref, out_ref):
    cnt = jnp.float32(B * S * K)
    tot = sums_ref[0] + sums_ref[1]
    mean = (tot[0:1] / cnt)
    ex2 = tot[1:2] / cnt
    var = ex2 - mean * mean
    std = jnp.sqrt(var + 1e-5)
    g = g_ref[...]
    sel = jnp.where(g >= 0.0, hmax_ref[0], hmin_ref[0])
    out_ref[0] = jnp.maximum((sel - mean) / std * g + be_ref[...], 0.0)


def _finalize(hmax, hmin, sums, g2, be2):
    return pl.pallas_call(
        _fin_body,
        grid=(B, S // TS_MLP),
        in_specs=[
            pl.BlockSpec((1, TS_MLP, CO), lambda b, j: (b, j, 0)),
            pl.BlockSpec((1, TS_MLP, CO), lambda b, j: (b, j, 0)),
            pl.BlockSpec((B, 2, CO), lambda b, j: (0, 0, 0)),
            pl.BlockSpec((1, CO), lambda b, j: (0, 0)),
            pl.BlockSpec((1, CO), lambda b, j: (0, 0)),
        ],
        out_specs=pl.BlockSpec((1, TS_MLP, CO), lambda b, j: (b, j, 0)),
        out_shape=jax.ShapeDtypeStruct((B, S, CO), jnp.float32),
        compiler_params=pltpu.CompilerParams(
            dimension_semantics=("parallel", "parallel")),
    )(hmax, hmin, sums, g2, be2)



def kernel(xyz, points, W, b, gamma, beta):
    xT = jnp.transpose(xyz, (0, 2, 1))
    nxt = _fps(xyz, xT)
    new_xyz = jnp.transpose(nxt, (0, 2, 1))
    idxg = _knn(nxt, xyz)

    idx_perm = idxg.reshape(B, S // TS_MLP, TS_MLP, K).transpose(0, 1, 3, 2)
    idx2d = idx_perm.reshape(-1, ROWS_PER_GATHER)

    pT = jnp.transpose(points, (0, 2, 1))
    pad = jnp.zeros((B, N, CF - CIN - 3), jnp.float32)
    table = jnp.concatenate([pT, xT, pad], axis=2).reshape(B * N, CF)

    gf = _gather_sc(table, idx2d)
    gf3 = gf.reshape(B, S * K, CF)

    wt = jnp.concatenate([W, jnp.zeros((CO, CF - CIN - 3), jnp.float32)],
                         axis=1).T.astype(jnp.bfloat16)
    b2 = b.reshape(1, CO)
    hmax, hmin, sums = _mlp(gf3, nxt, wt, b2)
    out = _finalize(hmax, hmin, sums, gamma.reshape(1, CO), beta.reshape(1, CO))
    new_points = jnp.transpose(out, (0, 2, 1))
    return (new_xyz, new_points)

# --- scband reference (transcript-rebuilt; emitter-appended) ---
"""Pipeline reference for scband-point-transformer-transition-down-5617817224083 (READ-ONLY COPY).

The authoritative reference and input builder live on the scoring server;
editing this copy changes nothing except your own understanding.
"""

import jax, jax.numpy as jnp
import numpy as np

NPOINT = 2048
NSAMPLE = 16
IN_CH = 128
OUT_CH = 256


def farthest_point_sample(pts, S):
    # pts: [B, N, 3]
    B, N, _ = pts.shape

    def body(i, state):
        dists, idxs, farthest = state
        idxs = idxs.at[:, i].set(farthest)
        centroid = jnp.take_along_axis(pts, farthest[:, None, None], axis=1)  # [B,1,3]
        d = jnp.sum((pts - centroid) ** 2, axis=-1)  # [B,N]
        dists = jnp.minimum(dists, d)
        farthest = jnp.argmax(dists, axis=-1).astype(jnp.int32)
        return (dists, idxs, farthest)

    dists = jnp.full((B, N), 1e10, dtype=jnp.float32)
    idxs = jnp.zeros((B, S), dtype=jnp.int32)
    farthest = jnp.zeros((B,), dtype=jnp.int32)
    dists, idxs, farthest = jax.lax.fori_loop(0, S, body, (dists, idxs, farthest))
    return idxs


def setup_inputs(seed: int = 0) -> dict:
    key = jax.random.key(seed)
    k1, k2, k3 = jax.random.split(key, 3)
    xyz = jax.random.normal(k1, (2, 3, 8192), dtype=jnp.float32)
    points = jax.random.normal(k2, (2, IN_CH, 8192), dtype=jnp.float32)
    W = jax.random.normal(k3, (OUT_CH, IN_CH + 3), dtype=jnp.float32) * 0.05
    b = jnp.zeros((OUT_CH,), dtype=jnp.float32)
    gamma = jnp.ones((OUT_CH,), dtype=jnp.float32)
    beta = jnp.zeros((OUT_CH,), dtype=jnp.float32)
    return {"xyz": xyz, "points": points, "W": W, "b": b, "gamma": gamma, "beta": beta}


def reference(xyz, points, W, b, gamma, beta):
    B, C, N = xyz.shape
    S, K = NPOINT, NSAMPLE
    pts = jnp.transpose(xyz, (0, 2, 1))  # [B,N,3]
    # farthest point sampling (indices are non-differentiable)
    fps_idx = farthest_point_sample(jax.lax.stop_gradient(pts), S)  # [B,S]
    # gather_operation: new_xyz [B,3,S]
    new_xyz = jnp.take_along_axis(xyz, fps_idx[:, None, :].astype(jnp.int32), axis=2)
    q = jnp.transpose(new_xyz, (0, 2, 1))  # [B,S,3]
    # knn_point: k nearest neighbors of each query among all N points
    d = (jnp.sum(q ** 2, axis=-1, keepdims=True)
         + jnp.sum(pts ** 2, axis=-1)[:, None, :]
         - 2.0 * jnp.einsum('bsc,bnc->bsn', q, pts))  # [B,S,N]
    _, group_idx = jax.lax.top_k(-jax.lax.stop_gradient(d), K)  # [B,S,K]

    def group(feat):
        # feat [B,D,N] -> [B,D,S,K]
        flat = group_idx.reshape(B, S * K)
        g = jnp.take_along_axis(feat, flat[:, None, :], axis=2)
        return g.reshape(B, feat.shape[1], S, K)

    grouped_xyz = group(xyz) - new_xyz[:, :, :, None]  # [B,3,S,K]
    grouped_points = jnp.concatenate([group(points), grouped_xyz], axis=1)  # [B,131,S,K]
    # MLP: 1x1 conv2d + BatchNorm2d (training-mode batch stats) + ReLU
    h = jnp.einsum('oc,bcsk->bosk', W, grouped_points) + b[None, :, None, None]
    mean = jnp.mean(h, axis=(0, 2, 3), keepdims=True)
    var = jnp.var(h, axis=(0, 2, 3), keepdims=True)
    h = (h - mean) / jnp.sqrt(var + 1e-5)
    h = h * gamma[None, :, None, None] + beta[None, :, None, None]
    h = jax.nn.relu(h)
    new_points = jnp.max(h, axis=-1)  # [B,OUT_CH,S]
    return (new_xyz, new_points)

if __name__ == "__main__":
    import jax
    _d = setup_inputs()
    print(jax.jit(kernel)(*tuple(_d.values())))

</pallas_src>

<mosaic_0001>
#map = affine_map<(d0, d1) -> (0, 0)>
module attributes {stable_mosaic.version = 14 : i64} {
  func.func @k(%arg0: i32, %arg1: i32, %arg2: memref<16384x144xf32, #tpu.memory_space<hbm>>, %arg3: memref<512x128xi32, #tpu.memory_space<hbm>>, %arg4: memref<65536x144xf32, #tpu.memory_space<hbm>>, %arg5: memref<16x128xi32, #tpu.memory_space<vmem>>, %arg6: memref<128x144xf32, #tpu.memory_space<vmem>>, %arg7: memref<128x144xf32, #tpu.memory_space<vmem>>, %arg8: memref<!tpu.dma_semaphore, #tpu.memory_space<semaphore_mem>>, %arg9: memref<!tpu.dma_semaphore, #tpu.memory_space<semaphore_mem>>) attributes {dimension_semantics = [#tpu.dimension_semantics<core_parallel>, #tpu.dimension_semantics<subcore_parallel>], iteration_bounds = array<i64: 2, 16>, scalar_prefetch = 0 : i64, scratch_operands = 5 : i64, tpu.core_type = #tpu.core_type<sc_vector_subcore>, window_params = [{transform_indices = #map}, {transform_indices = #map}, {transform_indices = #map}]} {
    %mul3A = arith.constant 2 : i32
    %mul3A_0 = arith.muli %arg1, %mul3A : i32
    %add3A = arith.addi %mul3A_0, %arg0 : i32
    %mul3A_1 = arith.constant 2048 : i32
    %mul3A_2 = arith.muli %add3A, %mul3A_1 : i32
    %mul3A_3 = arith.constant 16 : i32
    %mul3A_4 = arith.muli %add3A, %mul3A_3 : i32
    "tpu.region"() ({
      %run_scoped3A = tpu.sem_alloc : memref<!tpu.dma_semaphore, #tpu.memory_space<semaphore_mem>>
      %dma_start3A_259 = arith.constant 0 : i32
      %dma_start3A_260 = tpu.memref_slice %arg3[%mul3A_4, %dma_start3A_259] : memref<512x128xi32, #tpu.memory_space<hbm>> -> memref<16x128xi32, #tpu.memory_space<hbm>>
      %dma_start3A_261 = arith.constant 0 : i32
      %dma_start3A_262 = tpu.memref_slice %arg3[%mul3A_4, %dma_start3A_261] : memref<512x128xi32, #tpu.memory_space<hbm>> -> memref<16x128xi32, #tpu.memory_space<hbm>>
      tpu.enqueue_dma source(%dma_start3A_262 : memref<16x128xi32, #tpu.memory_space<hbm>>) target(%arg5 : memref<16x128xi32, #tpu.memory_space<vmem>>) target_semaphore(%run_scoped3A : memref<!tpu.dma_semaphore, #tpu.memory_space<semaphore_mem>>)
      %dma_wait3A_263 = arith.constant 0 : i32
      %dma_wait3A_264 = tpu.memref_slice %arg3[%mul3A_4, %dma_wait3A_263] : memref<512x128xi32, #tpu.memory_space<hbm>> -> memref<16x128xi32, #tpu.memory_space<hbm>>
      %dma_wait3A_265 = arith.constant 0 : i32
      %dma_wait3A_266 = tpu.memref_slice %arg3[%mul3A_4, %dma_wait3A_265] : memref<512x128xi32, #tpu.memory_space<hbm>> -> memref<16x128xi32, #tpu.memory_space<hbm>>
      tpu.wait_dma2 semaphore(%run_scoped3A : memref<!tpu.dma_semaphore, #tpu.memory_space<semaphore_mem>>) src(%dma_wait3A_266 : memref<16x128xi32, #tpu.memory_space<hbm>>) dst(%arg5 : memref<16x128xi32, #tpu.memory_space<vmem>>)
      tpu.yield
    }) : () -> ()
    %dma_start3A = arith.constant 0 : i32
    %dma_start3A_5 = arith.constant 0 : i32
    %dma_start3A_6 = tpu.memref_slice %arg5[%dma_start3A, %dma_start3A_5] : memref<16x128xi32, #tpu.memory_space<vmem>> -> memref<1x128xi32, #tpu.memory_space<vmem>>
    %dma_start3A_7 = tpu.memref_squeeze %dma_start3A_6 : memref<1x128xi32, #tpu.memory_space<vmem>> -> memref<128xi32, #tpu.memory_space<vmem>>
    %dma_start3A_8 = arith.constant 0 : i32
    %dma_start3A_9 = arith.constant 0 : i32
    %dma_start3A_10 = tpu.memref_slice %arg2[%dma_start3A_8, %dma_start3A_9] : memref<16384x144xf32, #tpu.memory_space<hbm>> -> memref<16384x144xf32, #tpu.memory_space<hbm>>
    tpu.enqueue_indirect_dma source(%dma_start3A_10 : memref<16384x144xf32, #tpu.memory_space<hbm>>) target(%arg6 : memref<128x144xf32, #tpu.memory_space<vmem>>) offsets(%dma_start3A_7 : memref<128xi32, #tpu.memory_space<vmem>>) semaphore(%arg8 : memref<!tpu.dma_semaphore, #tpu.memory_space<semaphore_mem>>)
    %dma_start3A_11 = arith.constant 1 : i32
    %dma_start3A_12 = arith.constant 0 : i32
    %dma_start3A_13 = tpu.memref_slice %arg5[%dma_start3A_11, %dma_start3A_12] : memref<16x128xi32, #tpu.memory_space<vmem>> -> memref<1x128xi32, #tpu.memory_space<vmem>>
    %dma_start3A_14 = tpu.memref_squeeze %dma_start3A_13 : memref<1x128xi32, #tpu.memory_space<vmem>> -> memref<128xi32, #tpu.memory_space<vmem>>
    %dma_start3A_15 = arith.constant 0 : i32
    %dma_start3A_16 = arith.constant 0 : i32
    %dma_start3A_17 = tpu.memref_slice %arg2[%dma_start3A_15, %dma_start3A_16] : memref<16384x144xf32, #tpu.memory_space<hbm>> -> memref<16384x144xf32, #tpu.memory_space<hbm>>
    tpu.enqueue_indirect_dma source(%dma_start3A_17 : memref<16384x144xf32, #tpu.memory_space<hbm>>) target(%arg7 : memref<128x144xf32, #tpu.memory_space<vmem>>) offsets(%dma_start3A_14 : memref<128xi32, #tpu.memory_space<vmem>>) semaphore(%arg9 : memref<!tpu.dma_semaphore, #tpu.memory_space<semaphore_mem>>)
    %dma_wait3A = arith.constant 0 : i32
    %dma_wait3A_18 = arith.constant 0 : i32
    %dma_wait3A_19 = tpu.memref_slice %arg5[%dma_wait3A, %dma_wait3A_18] : memref<16x128xi32, #tpu.memory_space<vmem>> -> memref<1x128xi32, #tpu.memory_space<vmem>>
    %dma_wait3A_20 = tpu.memref_squeeze %dma_wait3A_19 : memref<1x128xi32, #tpu.memory_space<vmem>> -> memref<128xi32, #tpu.memory_space<vmem>>
    %dma_wait3A_21 = arith.constant 0 : i32
    %dma_wait3A_22 = arith.constant 0 : i32
    %dma_wait3A_23 = tpu.memref_slice %arg2[%dma_wait3A_21, %dma_wait3A_22] : memref<16384x144xf32, #tpu.memory_space<hbm>> -> memref<16384x144xf32, #tpu.memory_space<hbm>>
    tpu.wait_indirect_dma semaphore(%arg8 : memref<!tpu.dma_semaphore, #tpu.memory_space<semaphore_mem>>) src(%dma_wait3A_23 : memref<16384x144xf32, #tpu.memory_space<hbm>>) dst(%arg6 : memref<128x144xf32, #tpu.memory_space<vmem>>)
    %add3A_24 = arith.constant 0 : i32
    %add3A_25 = arith.addi %mul3A_2, %add3A_24 : i32
    "tpu.region"() ({
      %run_scoped3A = tpu.sem_alloc : memref<!tpu.dma_semaphore, #tpu.memory_space<semaphore_mem>>
      %dma_start3A_259 = arith.constant 0 : i32
      %dma_start3A_260 = tpu.memref_slice %arg4[%add3A_25, %dma_start3A_259] : memref<65536x144xf32, #tpu.memory_space<hbm>> -> memref<128x144xf32, #tpu.memory_space<hbm>>
      %dma_start3A_261 = arith.constant 0 : i32
      %dma_start3A_262 = tpu.memref_slice %arg4[%add3A_25, %dma_start3A_261] : memref<65536x144xf32, #tpu.memory_space<hbm>> -> memref<128x144xf32, #tpu.memory_space<hbm>>
      tpu.enqueue_dma source(%arg6 : memref<128x144xf32, #tpu.memory_space<vmem>>) target(%dma_start3A_262 : memref<128x144xf32, #tpu.memory_space<hbm>>) target_semaphore(%run_scoped3A : memref<!tpu.dma_semaphore, #tpu.memory_space<semaphore_mem>>)
      %dma_wait3A_263 = arith.constant 0 : i32
      %dma_wait3A_264 = tpu.memref_slice %arg4[%add3A_25, %dma_wait3A_263] : memref<65536x144xf32, #tpu.memory_space<hbm>> -> memref<128x144xf32, #tpu.memory_space<hbm>>
      %dma_wait3A_265 = arith.constant 0 : i32
      %dma_wait3A_266 = tpu.memref_slice %arg4[%add3A_25, %dma_wait3A_265] : memref<65536x144xf32, #tpu.memory_space<hbm>> -> memref<128x144xf32, #tpu.memory_space<hbm>>
      tpu.wait_dma2 semaphore(%run_scoped3A : memref<!tpu.dma_semaphore, #tpu.memory_space<semaphore_mem>>) src(%arg6 : memref<128x144xf32, #tpu.memory_space<vmem>>) dst(%dma_wait3A_266 : memref<128x144xf32, #tpu.memory_space<hbm>>)
      tpu.yield
    }) : () -> ()
    %dma_start3A_26 = arith.constant 2 : i32
    %dma_start3A_27 = arith.constant 0 : i32
    %dma_start3A_28 = tpu.memref_slice %arg5[%dma_start3A_26, %dma_start3A_27] : memref<16x128xi32, #tpu.memory_space<vmem>> -> memref<1x128xi32, #tpu.memory_space<vmem>>
    %dma_start3A_29 = tpu.memref_squeeze %dma_start3A_28 : memref<1x128xi32, #tpu.memory_space<vmem>> -> memref<128xi32, #tpu.memory_space<vmem>>
    %dma_start3A_30 = arith.constant 0 : i32
    %dma_start3A_31 = arith.constant 0 : i32
    %dma_start3A_32 = tpu.memref_slice %arg2[%dma_start3A_30, %dma_start3A_31] : memref<16384x144xf32, #tpu.memory_space<hbm>> -> memref<16384x144xf32, #tpu.memory_space<hbm>>
    tpu.enqueue_indirect_dma source(%dma_start3A_32 : memref<16384x144xf32, #tpu.memory_space<hbm>>) target(%arg6 : memref<128x144xf32, #tpu.memory_space<vmem>>) offsets(%dma_start3A_29 : memref<128xi32, #tpu.memory_space<vmem>>) semaphore(%arg8 : memref<!tpu.dma_semaphore, #tpu.memory_space<semaphore_mem>>)
    %dma_wait3A_33 = arith.constant 1 : i32
    %dma_wait3A_34 = arith.constant 0 : i32
    %dma_wait3A_35 = tpu.memref_slice %arg5[%dma_wait3A_33, %dma_wait3A_34] : memref<16x128xi32, #tpu.memory_space<vmem>> -> memref<1x128xi32, #tpu.memory_space<vmem>>
    %dma_wait3A_36 = tpu.memref_squeeze %dma_wait3A_35 : memref<1x128xi32, #tpu.memory_space<vmem>> -> memref<128xi32, #tpu.memory_space<vmem>>
    %dma_wait3A_37 = arith.constant 0 : i32
    %dma_wait3A_38 = arith.constant 0 : i32
    %dma_wait3A_39 = tpu.memref_slice %arg2[%dma_wait3A_37, %dma_wait3A_38] : memref<16384x144xf32, #tpu.memory_space<hbm>> -> memref<16384x144xf32, #tpu.memory_space<hbm>>
    tpu.wait_indirect_dma semaphore(%arg9 : memref<!tpu.dma_semaphore, #tpu.memory_space<semaphore_mem>>) src(%dma_wait3A_39 : memref<16384x144xf32, #tpu.memory_space<hbm>>) dst(%arg7 : memref<128x144xf32, #tpu.memory_space<vmem>>)
    %add3A_40 = arith.constant 128 : i32
    %add3A_41 = arith.addi %mul3A_2, %add3A_40 : i32
    "tpu.region"() ({
      %run_scoped3A = tpu.sem_alloc : memref<!tpu.dma_semaphore, #tpu.memory_space<semaphore_mem>>
      %dma_start3A_259 = arith.constant 0 : i32
      %dma_start3A_260 = tpu.memref_slice %arg4[%add3A_41, %dma_start3A_259] : memref<65536x144xf32, #tpu.memory_space<hbm>> -> memref<128x144xf32, #tpu.memory_space<hbm>>
      %dma_start3A_261 = arith.constant 0 : i32
      %dma_start3A_262 = tpu.memref_slice %arg4[%add3A_41, %dma_start3A_261] : memref<65536x144xf32, #tpu.memory_space<hbm>> -> memref<128x144xf32, #tpu.memory_space<hbm>>
      tpu.enqueue_dma source(%arg7 : memref<128x144xf32, #tpu.memory_space<vmem>>) target(%dma_start3A_262 : memref<128x144xf32, #tpu.memory_space<hbm>>) target_semaphore(%run_scoped3A : memref<!tpu.dma_semaphore, #tpu.memory_space<semaphore_mem>>)
      %dma_wait3A_263 = arith.constant 0 : i32
      %dma_wait3A_264 = tpu.memref_slice %arg4[%add3A_41, %dma_wait3A_263] : memref<65536x144xf32, #tpu.memory_space<hbm>> -> memref<128x144xf32, #tpu.memory_space<hbm>>
      %dma_wait3A_265 = arith.constant 0 : i32
      %dma_wait3A_266 = tpu.memref_slice %arg4[%add3A_41, %dma_wait3A_265] : memref<65536x144xf32, #tpu.memory_space<hbm>> -> memref<128x144xf32, #tpu.memory_space<hbm>>
      tpu.wait_dma2 semaphore(%run_scoped3A : memref<!tpu.dma_semaphore, #tpu.memory_space<semaphore_mem>>) src(%arg7 : memref<128x144xf32, #tpu.memory_space<vmem>>) dst(%dma_wait3A_266 : memref<128x144xf32, #tpu.memory_space<hbm>>)
      tpu.yield
    }) : () -> ()
    %dma_start3A_42 = arith.constant 3 : i32
    %dma_start3A_43 = arith.constant 0 : i32
    %dma_start3A_44 = tpu.memref_slice %arg5[%dma_start3A_42, %dma_start3A_43] : memref<16x128xi32, #tpu.memory_space<vmem>> -> memref<1x128xi32, #tpu.memory_space<vmem>>
    %dma_start3A_45 = tpu.memref_squeeze %dma_start3A_44 : memref<1x128xi32, #tpu.memory_space<vmem>> -> memref<128xi32, #tpu.memory_space<vmem>>
    %dma_start3A_46 = arith.constant 0 : i32
    %dma_start3A_47 = arith.constant 0 : i32
    %dma_start3A_48 = tpu.memref_slice %arg2[%dma_start3A_46, %dma_start3A_47] : memref<16384x144xf32, #tpu.memory_space<hbm>> -> memref<16384x144xf32, #tpu.memory_space<hbm>>
    tpu.enqueue_indirect_dma source(%dma_start3A_48 : memref<16384x144xf32, #tpu.memory_space<hbm>>) target(%arg7 : memref<128x144xf32, #tpu.memory_space<vmem>>) offsets(%dma_start3A_45 : memref<128xi32, #tpu.memory_space<vmem>>) semaphore(%arg9 : memref<!tpu.dma_semaphore, #tpu.memory_space<semaphore_mem>>)
    %dma_wait3A_49 = arith.constant 2 : i32
    %dma_wait3A_50 = arith.constant 0 : i32
    %dma_wait3A_51 = tpu.memref_slice %arg5[%dma_wait3A_49, %dma_wait3A_50] : memref<16x128xi32, #tpu.memory_space<vmem>> -> memref<1x128xi32, #tpu.memory_space<vmem>>
    %dma_wait3A_52 = tpu.memref_squeeze %dma_wait3A_51 : memref<1x128xi32, #tpu.memory_space<vmem>> -> memref<128xi32, #tpu.memory_space<vmem>>
    %dma_wait3A_53 = arith.constant 0 : i32
    %dma_wait3A_54 = arith.constant 0 : i32
    %dma_wait3A_55 = tpu.memref_slice %arg2[%dma_wait3A_53, %dma_wait3A_54] : memref<16384x144xf32, #tpu.memory_space<hbm>> -> memref<16384x144xf32, #tpu.memory_space<hbm>>
    tpu.wait_indirect_dma semaphore(%arg8 : memref<!tpu.dma_semaphore, #tpu.memory_space<semaphore_mem>>) src(%dma_wait3A_55 : memref<16384x144xf32, #tpu.memory_space<hbm>>) dst(%arg6 : memref<128x144xf32, #tpu.memory_space<vmem>>)
    %add3A_56 = arith.constant 256 : i32
    %add3A_57 = arith.addi %mul3A_2, %add3A_56 : i32
    "tpu.region"() ({
      %run_scoped3A = tpu.sem_alloc : memref<!tpu.dma_semaphore, #tpu.memory_space<semaphore_mem>>
      %dma_start3A_259 = arith.constant 0 : i32
      %dma_start3A_260 = tpu.memref_slice %arg4[%add3A_57, %dma_start3A_259] : memref<65536x144xf32, #tpu.memory_space<hbm>> -> memref<128x144xf32, #tpu.memory_space<hbm>>
      %dma_start3A_261 = arith.constant 0 : i32
      %dma_start3A_262 = tpu.memref_slice %arg4[%add3A_57, %dma_start3A_261] : memref<65536x144xf32, #tpu.memory_space<hbm>> -> memref<128x144xf32, #tpu.memory_space<hbm>>
      tpu.enqueue_dma source(%arg6 : memref<128x144xf32, #tpu.memory_space<vmem>>) target(%dma_start3A_262 : memref<128x144xf32, #tpu.memory_space<hbm>>) target_semaphore(%run_scoped3A : memref<!tpu.dma_semaphore, #tpu.memory_space<semaphore_mem>>)
      %dma_wait3A_263 = arith.constant 0 : i32
      %dma_wait3A_264 = tpu.memref_slice %arg4[%add3A_57, %dma_wait3A_263] : memref<65536x144xf32, #tpu.memory_space<hbm>> -> memref<128x144xf32, #tpu.memory_space<hbm>>
      %dma_wait3A_265 = arith.constant 0 : i32
      %dma_wait3A_266 = tpu.memref_slice %arg4[%add3A_57, %dma_wait3A_265] : memref<65536x144xf32, #tpu.memory_space<hbm>> -> memref<128x144xf32, #tpu.memory_space<hbm>>
      tpu.wait_dma2 semaphore(%run_scoped3A : memref<!tpu.dma_semaphore, #tpu.memory_space<semaphore_mem>>) src(%arg6 : memref<128x144xf32, #tpu.memory_space<vmem>>) dst(%dma_wait3A_266 : memref<128x144xf32, #tpu.memory_space<hbm>>)
      tpu.yield
    }) : () -> ()
    %dma_start3A_58 = arith.constant 4 : i32
    %dma_start3A_59 = arith.constant 0 : i32
    %dma_start3A_60 = tpu.memref_slice %arg5[%dma_start3A_58, %dma_start3A_59] : memref<16x128xi32, #tpu.memory_space<vmem>> -> memref<1x128xi32, #tpu.memory_space<vmem>>
    %dma_start3A_61 = tpu.memref_squeeze %dma_start3A_60 : memref<1x128xi32, #tpu.memory_space<vmem>> -> memref<128xi32, #tpu.memory_space<vmem>>
    %dma_start3A_62 = arith.constant 0 : i32
    %dma_start3A_63 = arith.constant 0 : i32
    %dma_start3A_64 = tpu.memref_slice %arg2[%dma_start3A_62, %dma_start3A_63] : memref<16384x144xf32, #tpu.memory_space<hbm>> -> memref<16384x144xf32, #tpu.memory_space<hbm>>
    tpu.enqueue_indirect_dma source(%dma_start3A_64 : memref<16384x144xf32, #tpu.memory_space<hbm>>) target(%arg6 : memref<128x144xf32, #tpu.memory_space<vmem>>) offsets(%dma_start3A_61 : memref<128xi32, #tpu.memory_space<vmem>>) semaphore(%arg8 : memref<!tpu.dma_semaphore, #tpu.memory_space<semaphore_mem>>)
    %dma_wait3A_65 = arith.constant 3 : i32
    %dma_wait3A_66 = arith.constant 0 : i32
    %dma_wait3A_67 = tpu.memref_slice %arg5[%dma_wait3A_65, %dma_wait3A_66] : memref<16x128xi32, #tpu.memory_space<vmem>> -> memref<1x128xi32, #tpu.memory_space<vmem>>
    %dma_wait3A_68 = tpu.memref_squeeze %dma_wait3A_67 : memref<1x128xi32, #tpu.memory_space<vmem>> -> memref<128xi32, #tpu.memory_space<vmem>>
    %dma_wait3A_69 = arith.constant 0 : i32
    %dma_wait3A_70 = arith.constant 0 : i32
    %dma_wait3A_71 = tpu.memref_slice %arg2[%dma_wait3A_69, %dma_wait3A_70] : memref<16384x144xf32, #tpu.memory_space<hbm>> -> memref<16384x144xf32, #tpu.memory_space<hbm>>
    tpu.wait_indirect_dma semaphore(%arg9 : memref<!tpu.dma_semaphore, #tpu.memory_space<semaphore_mem>>) src(%dma_wait3A_71 : memref<16384x144xf32, #tpu.memory_space<hbm>>) dst(%arg7 : memref<128x144xf32, #tpu.memory_space<vmem>>)
    %add3A_72 = arith.constant 384 : i32
    %add3A_73 = arith.addi %mul3A_2, %add3A_72 : i32
    "tpu.region"() ({
      %run_scoped3A = tpu.sem_alloc : memref<!tpu.dma_semaphore, #tpu.memory_space<semaphore_mem>>
      %dma_start3A_259 = arith.constant 0 : i32
      %dma_start3A_260 = tpu.memref_slice %arg4[%add3A_73, %dma_start3A_259] : memref<65536x144xf32, #tpu.memory_space<hbm>> -> memref<128x144xf32, #tpu.memory_space<hbm>>
      %dma_start3A_261 = arith.constant 0 : i32
      %dma_start3A_262 = tpu.memref_slice %arg4[%add3A_73, %dma_start3A_261] : memref<65536x144xf32, #tpu.memory_space<hbm>> -> memref<128x144xf32, #tpu.memory_space<hbm>>
      tpu.enqueue_dma source(%arg7 : memref<128x144xf32, #tpu.memory_space<vmem>>) target(%dma_start3A_262 : memref<128x144xf32, #tpu.memory_space<hbm>>) target_semaphore(%run_scoped3A : memref<!tpu.dma_semaphore, #tpu.memory_space<semaphore_mem>>)
      %dma_wait3A_263 = arith.constant 0 : i32
      %dma_wait3A_264 = tpu.memref_slice %arg4[%add3A_73, %dma_wait3A_263] : memref<65536x144xf32, #tpu.memory_space<hbm>> -> memref<128x144xf32, #tpu.memory_space<hbm>>
      %dma_wait3A_265 = arith.constant 0 : i32
      %dma_wait3A_266 = tpu.memref_slice %arg4[%add3A_73, %dma_wait3A_265] : memref<65536x144xf32, #tpu.memory_space<hbm>> -> memref<128x144xf32, #tpu.memory_space<hbm>>
      tpu.wait_dma2 semaphore(%run_scoped3A : memref<!tpu.dma_semaphore, #tpu.memory_space<semaphore_mem>>) src(%arg7 : memref<128x144xf32, #tpu.memory_space<vmem>>) dst(%dma_wait3A_266 : memref<128x144xf32, #tpu.memory_space<hbm>>)
      tpu.yield
    }) : () -> ()
    %dma_start3A_74 = arith.constant 5 : i32
    %dma_start3A_75 = arith.constant 0 : i32
    %dma_start3A_76 = tpu.memref_slice %arg5[%dma_start3A_74, %dma_start3A_75] : memref<16x128xi32, #tpu.memory_space<vmem>> -> memref<1x128xi32, #tpu.memory_space<vmem>>
    %dma_start3A_77 = tpu.memref_squeeze %dma_start3A_76 : memref<1x128xi32, #tpu.memory_space<vmem>> -> memref<128xi32, #tpu.memory_space<vmem>>
    %dma_start3A_78 = arith.constant 0 : i32
    %dma_start3A_79 = arith.constant 0 : i32
    %dma_start3A_80 = tpu.memref_slice %arg2[%dma_start3A_78, %dma_start3A_79] : memref<16384x144xf32, #tpu.memory_space<hbm>> -> memref<16384x144xf32, #tpu.memory_space<hbm>>
    tpu.enqueue_indirect_dma source(%dma_start3A_80 : memref<16384x144xf32, #tpu.memory_space<hbm>>) target(%arg7 : memref<128x144xf32, #tpu.memory_space<vmem>>) offsets(%dma_start3A_77 : memref<128xi32, #tpu.memory_space<vmem>>) semaphore(%arg9 : memref<!tpu.dma_semaphore, #tpu.memory_space<semaphore_mem>>)
    %dma_wait3A_81 = arith.constant 4 : i32
    %dma_wait3A_82 = arith.constant 0 : i32
    %dma_wait3A_83 = tpu.memref_slice %arg5[%dma_wait3A_81, %dma_wait3A_82] : memref<16x128xi32, #tpu.memory_space<vmem>> -> memref<1x128xi32, #tpu.memory_space<vmem>>
    %dma_wait3A_84 = tpu.memref_squeeze %dma_wait3A_83 : memref<1x128xi32, #tpu.memory_space<vmem>> -> memref<128xi32, #tpu.memory_space<vmem>>
    %dma_wait3A_85 = arith.constant 0 : i32
    %dma_wait3A_86 = arith.constant 0 : i32
    %dma_wait3A_87 = tpu.memref_slice %arg2[%dma_wait3A_85, %dma_wait3A_86] : memref<16384x144xf32, #tpu.memory_space<hbm>> -> memref<16384x144xf32, #tpu.memory_space<hbm>>
    tpu.wait_indirect_dma semaphore(%arg8 : memref<!tpu.dma_semaphore, #tpu.memory_space<semaphore_mem>>) src(%dma_wait3A_87 : memref<16384x144xf32, #tpu.memory_space<hbm>>) dst(%arg6 : memref<128x144xf32, #tpu.memory_space<vmem>>)
    %add3A_88 = arith.constant 512 : i32
    %add3A_89 = arith.addi %mul3A_2, %add3A_88 : i32
    "tpu.region"() ({
      %run_scoped3A = tpu.sem_alloc : memref<!tpu.dma_semaphore, #tpu.memory_space<semaphore_mem>>
      %dma_start3A_259 = arith.constant 0 : i32
      %dma_start3A_260 = tpu.memref_slice %arg4[%add3A_89, %dma_start3A_259] : memref<65536x144xf32, #tpu.memory_space<hbm>> -> memref<128x144xf32, #tpu.memory_space<hbm>>
      %dma_start3A_261 = arith.constant 0 : i32
      %dma_start3A_262 = tpu.memref_slice %arg4[%add3A_89, %dma_start3A_261] : memref<65536x144xf32, #tpu.memory_space<hbm>> -> memref<128x144xf32, #tpu.memory_space<hbm>>
      tpu.enqueue_dma source(%arg6 : memref<128x144xf32, #tpu.memory_space<vmem>>) target(%dma_start3A_262 : memref<128x144xf32, #tpu.memory_space<hbm>>) target_semaphore(%run_scoped3A : memref<!tpu.dma_semaphore, #tpu.memory_space<semaphore_mem>>)
      %dma_wait3A_263 = arith.constant 0 : i32
      %dma_wait3A_264 = tpu.memref_slice %arg4[%add3A_89, %dma_wait3A_263] : memref<65536x144xf32, #tpu.memory_space<hbm>> -> memref<128x144xf32, #tpu.memory_space<hbm>>
      %dma_wait3A_265 = arith.constant 0 : i32
      %dma_wait3A_266 = tpu.memref_slice %arg4[%add3A_89, %dma_wait3A_265] : memref<65536x144xf32, #tpu.memory_space<hbm>> -> memref<128x144xf32, #tpu.memory_space<hbm>>
      tpu.wait_dma2 semaphore(%run_scoped3A : memref<!tpu.dma_semaphore, #tpu.memory_space<semaphore_mem>>) src(%arg6 : memref<128x144xf32, #tpu.memory_space<vmem>>) dst(%dma_wait3A_266 : memref<128x144xf32, #tpu.memory_space<hbm>>)
      tpu.yield
    }) : () -> ()
    %dma_start3A_90 = arith.constant 6 : i32
    %dma_start3A_91 = arith.constant 0 : i32
    %dma_start3A_92 = tpu.memref_slice %arg5[%dma_start3A_90, %dma_start3A_91] : memref<16x128xi32, #tpu.memory_space<vmem>> -> memref<1x128xi32, #tpu.memory_space<vmem>>
    %dma_start3A_93 = tpu.memref_squeeze %dma_start3A_92 : memref<1x128xi32, #tpu.memory_space<vmem>> -> memref<128xi32, #tpu.memory_space<vmem>>
    %dma_start3A_94 = arith.constant 0 : i32
    %dma_start3A_95 = arith.constant 0 : i32
    %dma_start3A_96 = tpu.memref_slice %arg2[%dma_start3A_94, %dma_start3A_95] : memref<16384x144xf32, #tpu.memory_space<hbm>> -> memref<16384x144xf32, #tpu.memory_space<hbm>>
    tpu.enqueue_indirect_dma source(%dma_start3A_96 : memref<16384x144xf32, #tpu.memory_space<hbm>>) target(%arg6 : memref<128x144xf32, #tpu.memory_space<vmem>>) offsets(%dma_start3A_93 : memref<128xi32, #tpu.memory_space<vmem>>) semaphore(%arg8 : memref<!tpu.dma_semaphore, #tpu.memory_space<semaphore_mem>>)
    %dma_wait3A_97 = arith.constant 5 : i32
    %dma_wait3A_98 = arith.constant 0 : i32
    %dma_wait3A_99 = tpu.memref_slice %arg5[%dma_wait3A_97, %dma_wait3A_98] : memref<16x128xi32, #tpu.memory_space<vmem>> -> memref<1x128xi32, #tpu.memory_space<vmem>>
    %dma_wait3A_100 = tpu.memref_squeeze %dma_wait3A_99 : memref<1x128xi32, #tpu.memory_space<vmem>> -> memref<128xi32, #tpu.memory_space<vmem>>
    %dma_wait3A_101 = arith.constant 0 : i32
    %dma_wait3A_102 = arith.constant 0 : i32
    %dma_wait3A_103 = tpu.memref_slice %arg2[%dma_wait3A_101, %dma_wait3A_102] : memref<16384x144xf32, #tpu.memory_space<hbm>> -> memref<16384x144xf32, #tpu.memory_space<hbm>>
    tpu.wait_indirect_dma semaphore(%arg9 : memref<!tpu.dma_semaphore, #tpu.memory_space<semaphore_mem>>) src(%dma_wait3A_103 : memref<16384x144xf32, #tpu.memory_space<hbm>>) dst(%arg7 : memref<128x144xf32, #tpu.memory_space<vmem>>)
    %add3A_104 = arith.constant 640 : i32
    %add3A_105 = arith.addi %mul3A_2, %add3A_104 : i32
    "tpu.region"() ({
      %run_scoped3A = tpu.sem_alloc : memref<!tpu.dma_semaphore, #tpu.memory_space<semaphore_mem>>
      %dma_start3A_259 = arith.constant 0 : i32
      %dma_start3A_260 = tpu.memref_slice %arg4[%add3A_105, %dma_start3A_259] : memref<65536x144xf32, #tpu.memory_space<hbm>> -> memref<128x144xf32, #tpu.memory_space<hbm>>
      %dma_start3A_261 = arith.constant 0 : i32
      %dma_start3A_262 = tpu.memref_slice %arg4[%add3A_105, %dma_start3A_261] : memref<65536x144xf32, #tpu.memory_space<hbm>> -> memref<128x144xf32, #tpu.memory_space<hbm>>
      tpu.enqueue_dma source(%arg7 : memref<128x144xf32, #tpu.memory_space<vmem>>) target(%dma_start3A_262 : memref<128x144xf32, #tpu.memory_space<hbm>>) target_semaphore(%run_scoped3A : memref<!tpu.dma_semaphore, #tpu.memory_space<semaphore_mem>>)
      %dma_wait3A_263 = arith.constant 0 : i32
      %dma_wait3A_264 = tpu.memref_slice %arg4[%add3A_105, %dma_wait3A_263] : memref<65536x144xf32, #tpu.memory_space<hbm>> -> memref<128x144xf32, #tpu.memory_space<hbm>>
      %dma_wait3A_265 = arith.constant 0 : i32
      %dma_wait3A_266 = tpu.memref_slice %arg4[%add3A_105, %dma_wait3A_265] : memref<65536x144xf32, #tpu.memory_space<hbm>> -> memref<128x144xf32, #tpu.memory_space<hbm>>
      tpu.wait_dma2 semaphore(%run_scoped3A : memref<!tpu.dma_semaphore, #tpu.memory_space<semaphore_mem>>) src(%arg7 : memref<128x144xf32, #tpu.memory_space<vmem>>) dst(%dma_wait3A_266 : memref<128x144xf32, #tpu.memory_space<hbm>>)
      tpu.yield
    }) : () -> ()
    %dma_start3A_106 = arith.constant 7 : i32
    %dma_start3A_107 = arith.constant 0 : i32
    %dma_start3A_108 = tpu.memref_slice %arg5[%dma_start3A_106, %dma_start3A_107] : memref<16x128xi32, #tpu.memory_space<vmem>> -> memref<1x128xi32, #tpu.memory_space<vmem>>
    %dma_start3A_109 = tpu.memref_squeeze %dma_start3A_108 : memref<1x128xi32, #tpu.memory_space<vmem>> -> memref<128xi32, #tpu.memory_space<vmem>>
    %dma_start3A_110 = arith.constant 0 : i32
    %dma_start3A_111 = arith.constant 0 : i32
    %dma_start3A_112 = tpu.memref_slice %arg2[%dma_start3A_110, %dma_start3A_111] : memref<16384x144xf32, #tpu.memory_space<hbm>> -> memref<16384x144xf32, #tpu.memory_space<hbm>>
    tpu.enqueue_indirect_dma source(%dma_start3A_112 : memref<16384x144xf32, #tpu.memory_space<hbm>>) target(%arg7 : memref<128x144xf32, #tpu.memory_space<vmem>>) offsets(%dma_start3A_109 : memref<128xi32, #tpu.memory_space<vmem>>) semaphore(%arg9 : memref<!tpu.dma_semaphore, #tpu.memory_space<semaphore_mem>>)
    %dma_wait3A_113 = arith.constant 6 : i32
    %dma_wait3A_114 = arith.constant 0 : i32
    %dma_wait3A_115 = tpu.memref_slice %arg5[%dma_wait3A_113, %dma_wait3A_114] : memref<16x128xi32, #tpu.memory_space<vmem>> -> memref<1x128xi32, #tpu.memory_space<vmem>>
    %dma_wait3A_116 = tpu.memref_squeeze %dma_wait3A_115 : memref<1x128xi32, #tpu.memory_space<vmem>> -> memref<128xi32, #tpu.memory_space<vmem>>
    %dma_wait3A_117 = arith.constant 0 : i32
    %dma_wait3A_118 = arith.constant 0 : i32
    %dma_wait3A_119 = tpu.memref_slice %arg2[%dma_wait3A_117, %dma_wait3A_118] : memref<16384x144xf32, #tpu.memory_space<hbm>> -> memref<16384x144xf32, #tpu.memory_space<hbm>>
    tpu.wait_indirect_dma semaphore(%arg8 : memref<!tpu.dma_semaphore, #tpu.memory_space<semaphore_mem>>) src(%dma_wait3A_119 : memref<16384x144xf32, #tpu.memory_space<hbm>>) dst(%arg6 : memref<128x144xf32, #tpu.memory_space<vmem>>)
    %add3A_120 = arith.constant 768 : i32
    %add3A_121 = arith.addi %mul3A_2, %add3A_120 : i32
    "tpu.region"() ({
      %run_scoped3A = tpu.sem_alloc : memref<!tpu.dma_semaphore, #tpu.memory_space<semaphore_mem>>
      %dma_start3A_259 = arith.constant 0 : i32
      %dma_start3A_260 = tpu.memref_slice %arg4[%add3A_121, %dma_start3A_259] : memref<65536x144xf32, #tpu.memory_space<hbm>> -> memref<128x144xf32, #tpu.memory_space<hbm>>
      %dma_start3A_261 = arith.constant 0 : i32
      %dma_start3A_262 = tpu.memref_slice %arg4[%add3A_121, %dma_start3A_261] : memref<65536x144xf32, #tpu.memory_space<hbm>> -> memref<128x144xf32, #tpu.memory_space<hbm>>
      tpu.enqueue_dma source(%arg6 : memref<128x144xf32, #tpu.memory_space<vmem>>) target(%dma_start3A_262 : memref<128x144xf32, #tpu.memory_space<hbm>>) target_semaphore(%run_scoped3A : memref<!tpu.dma_semaphore, #tpu.memory_space<semaphore_mem>>)
      %dma_wait3A_263 = arith.constant 0 : i32
      %dma_wait3A_264 = tpu.memref_slice %arg4[%add3A_121, %dma_wait3A_263] : memref<65536x144xf32, #tpu.memory_space<hbm>> -> memref<128x144xf32, #tpu.memory_space<hbm>>
      %dma_wait3A_265 = arith.constant 0 : i32
      %dma_wait3A_266 = tpu.memref_slice %arg4[%add3A_121, %dma_wait3A_265] : memref<65536x144xf32, #tpu.memory_space<hbm>> -> memref<128x144xf32, #tpu.memory_space<hbm>>
      tpu.wait_dma2 semaphore(%run_scoped3A : memref<!tpu.dma_semaphore, #tpu.memory_space<semaphore_mem>>) src(%arg6 : memref<128x144xf32, #tpu.memory_space<vmem>>) dst(%dma_wait3A_266 : memref<128x144xf32, #tpu.memory_space<hbm>>)
      tpu.yield
    }) : () -> ()
    %dma_start3A_122 = arith.constant 8 : i32
    %dma_start3A_123 = arith.constant 0 : i32
    %dma_start3A_124 = tpu.memref_slice %arg5[%dma_start3A_122, %dma_start3A_123] : memref<16x128xi32, #tpu.memory_space<vmem>> -> memref<1x128xi32, #tpu.memory_space<vmem>>
    %dma_start3A_125 = tpu.memref_squeeze %dma_start3A_124 : memref<1x128xi32, #tpu.memory_space<vmem>> -> memref<128xi32, #tpu.memory_space<vmem>>
    %dma_start3A_126 = arith.constant 0 : i32
    %dma_start3A_127 = arith.constant 0 : i32
    %dma_start3A_128 = tpu.memref_slice %arg2[%dma_start3A_126, %dma_start3A_127] : memref<16384x144xf32, #tpu.memory_space<hbm>> -> memref<16384x144xf32, #tpu.memory_space<hbm>>
    tpu.enqueue_indirect_dma source(%dma_start3A_128 : memref<16384x144xf32, #tpu.memory_space<hbm>>) target(%arg6 : memref<128x144xf32, #tpu.memory_space<vmem>>) offsets(%dma_start3A_125 : memref<128xi32, #tpu.memory_space<vmem>>) semaphore(%arg8 : memref<!tpu.dma_semaphore, #tpu.memory_space<semaphore_mem>>)
    %dma_wait3A_129 = arith.constant 7 : i32
    %dma_wait3A_130 = arith.constant 0 : i32
    %dma_wait3A_131 = tpu.memref_slice %arg5[%dma_wait3A_129, %dma_wait3A_130] : memref<16x128xi32, #tpu.memory_space<vmem>> -> memref<1x128xi32, #tpu.memory_space<vmem>>
    %dma_wait3A_132 = tpu.memref_squeeze %dma_wait3A_131 : memref<1x128xi32, #tpu.memory_space<vmem>> -> memref<128xi32, #tpu.memory_space<vmem>>
    %dma_wait3A_133 = arith.constant 0 : i32
    %dma_wait3A_134 = arith.constant 0 : i32
    %dma_wait3A_135 = tpu.memref_slice %arg2[%dma_wait3A_133, %dma_wait3A_134] : memref<16384x144xf32, #tpu.memory_space<hbm>> -> memref<16384x144xf32, #tpu.memory_space<hbm>>
    tpu.wait_indirect_dma semaphore(%arg9 : memref<!tpu.dma_semaphore, #tpu.memory_space<semaphore_mem>>) src(%dma_wait3A_135 : memref<16384x144xf32, #tpu.memory_space<hbm>>) dst(%arg7 : memref<128x144xf32, #tpu.memory_space<vmem>>)
    %add3A_136 = arith.constant 896 : i32
    %add3A_137 = arith.addi %mul3A_2, %add3A_136 : i32
    "tpu.region"() ({
      %run_scoped3A = tpu.sem_alloc : memref<!tpu.dma_semaphore, #tpu.memory_space<semaphore_mem>>
      %dma_start3A_259 = arith.constant 0 : i32
      %dma_start3A_260 = tpu.memref_slice %arg4[%add3A_137, %dma_start3A_259] : memref<65536x144xf32, #tpu.memory_space<hbm>> -> memref<128x144xf32, #tpu.memory_space<hbm>>
      %dma_start3A_261 = arith.constant 0 : i32
      %dma_start3A_262 = tpu.memref_slice %arg4[%add3A_137, %dma_start3A_261] : memref<65536x144xf32, #tpu.memory_space<hbm>> -> memref<128x144xf32, #tpu.memory_space<hbm>>
      tpu.enqueue_dma source(%arg7 : memref<128x144xf32, #tpu.memory_space<vmem>>) target(%dma_start3A_262 : memref<128x144xf32, #tpu.memory_space<hbm>>) target_semaphore(%run_scoped3A : memref<!tpu.dma_semaphore, #tpu.memory_space<semaphore_mem>>)
      %dma_wait3A_263 = arith.constant 0 : i32
      %dma_wait3A_264 = tpu.memref_slice %arg4[%add3A_137, %dma_wait3A_263] : memref<65536x144xf32, #tpu.memory_space<hbm>> -> memref<128x144xf32, #tpu.memory_space<hbm>>
      %dma_wait3A_265 = arith.constant 0 : i32
      %dma_wait3A_266 = tpu.memref_slice %arg4[%add3A_137, %dma_wait3A_265] : memref<65536x144xf32, #tpu.memory_space<hbm>> -> memref<128x144xf32, #tpu.memory_space<hbm>>
      tpu.wait_dma2 semaphore(%run_scoped3A : memref<!tpu.dma_semaphore, #tpu.memory_space<semaphore_mem>>) src(%arg7 : memref<128x144xf32, #tpu.memory_space<vmem>>) dst(%dma_wait3A_266 : memref<128x144xf32, #tpu.memory_space<hbm>>)
      tpu.yield
    }) : () -> ()
    %dma_start3A_138 = arith.constant 9 : i32
    %dma_start3A_139 = arith.constant 0 : i32
    %dma_start3A_140 = tpu.memref_slice %arg5[%dma_start3A_138, %dma_start3A_139] : memref<16x128xi32, #tpu.memory_space<vmem>> -> memref<1x128xi32, #tpu.memory_space<vmem>>
    %dma_start3A_141 = tpu.memref_squeeze %dma_start3A_140 : memref<1x128xi32, #tpu.memory_space<vmem>> -> memref<128xi32, #tpu.memory_space<vmem>>
    %dma_start3A_142 = arith.constant 0 : i32
    %dma_start3A_143 = arith.constant 0 : i32
    %dma_start3A_144 = tpu.memref_slice %arg2[%dma_start3A_142, %dma_start3A_143] : memref<16384x144xf32, #tpu.memory_space<hbm>> -> memref<16384x144xf32, #tpu.memory_space<hbm>>
    tpu.enqueue_indirect_dma source(%dma_start3A_144 : memref<16384x144xf32, #tpu.memory_space<hbm>>) target(%arg7 : memref<128x144xf32, #tpu.memory_space<vmem>>) offsets(%dma_start3A_141 : memref<128xi32, #tpu.memory_space<vmem>>) semaphore(%arg9 : memref<!tpu.dma_semaphore, #tpu.memory_space<semaphore_mem>>)
    %dma_wait3A_145 = arith.constant 8 : i32
    %dma_wait3A_146 = arith.constant 0 : i32
    %dma_wait3A_147 = tpu.memref_slice %arg5[%dma_wait3A_145, %dma_wait3A_146] : memref<16x128xi32, #tpu.memory_space<vmem>> -> memref<1x128xi32, #tpu.memory_space<vmem>>
    %dma_wait3A_148 = tpu.memref_squeeze %dma_wait3A_147 : memref<1x128xi32, #tpu.memory_space<vmem>> -> memref<128xi32, #tpu.memory_space<vmem>>
    %dma_wait3A_149 = arith.constant 0 : i32
    %dma_wait3A_150 = arith.constant 0 : i32
    %dma_wait3A_151 = tpu.memref_slice %arg2[%dma_wait3A_149, %dma_wait3A_150] : memref<16384x144xf32, #tpu.memory_space<hbm>> -> memref<16384x144xf32, #tpu.memory_space<hbm>>
    tpu.wait_indirect_dma semaphore(%arg8 : memref<!tpu.dma_semaphore, #tpu.memory_space<semaphore_mem>>) src(%dma_wait3A_151 : memref<16384x144xf32, #tpu.memory_space<hbm>>) dst(%arg6 : memref<128x144xf32, #tpu.memory_space<vmem>>)
    %add3A_152 = arith.constant 1024 : i32
    %add3A_153 = arith.addi %mul3A_2, %add3A_152 : i32
    "tpu.region"() ({
      %run_scoped3A = tpu.sem_alloc : memref<!tpu.dma_semaphore, #tpu.memory_space<semaphore_mem>>
      %dma_start3A_259 = arith.constant 0 : i32
      %dma_start3A_260 = tpu.memref_slice %arg4[%add3A_153, %dma_start3A_259] : memref<65536x144xf32, #tpu.memory_space<hbm>> -> memref<128x144xf32, #tpu.memory_space<hbm>>
      %dma_start3A_261 = arith.constant 0 : i32
      %dma_start3A_262 = tpu.memref_slice %arg4[%add3A_153, %dma_start3A_261] : memref<65536x144xf32, #tpu.memory_space<hbm>> -> memref<128x144xf32, #tpu.memory_space<hbm>>
      tpu.enqueue_dma source(%arg6 : memref<128x144xf32, #tpu.memory_space<vmem>>) target(%dma_start3A_262 : memref<128x144xf32, #tpu.memory_space<hbm>>) target_semaphore(%run_scoped3A : memref<!tpu.dma_semaphore, #tpu.memory_space<semaphore_mem>>)
      %dma_wait3A_263 = arith.constant 0 : i32
      %dma_wait3A_264 = tpu.memref_slice %arg4[%add3A_153, %dma_wait3A_263] : memref<65536x144xf32, #tpu.memory_space<hbm>> -> memref<128x144xf32, #tpu.memory_space<hbm>>
      %dma_wait3A_265 = arith.constant 0 : i32
      %dma_wait3A_266 = tpu.memref_slice %arg4[%add3A_153, %dma_wait3A_265] : memref<65536x144xf32, #tpu.memory_space<hbm>> -> memref<128x144xf32, #tpu.memory_space<hbm>>
      tpu.wait_dma2 semaphore(%run_scoped3A : memref<!tpu.dma_semaphore, #tpu.memory_space<semaphore_mem>>) src(%arg6 : memref<128x144xf32, #tpu.memory_space<vmem>>) dst(%dma_wait3A_266 : memref<128x144xf32, #tpu.memory_space<hbm>>)
      tpu.yield
    }) : () -> ()
    %dma_start3A_154 = arith.constant 10 : i32
    %dma_start3A_155 = arith.constant 0 : i32
    %dma_start3A_156 = tpu.memref_slice %arg5[%dma_start3A_154, %dma_start3A_155] : memref<16x128xi32, #tpu.memory_space<vmem>> -> memref<1x128xi32, #tpu.memory_space<vmem>>
    %dma_start3A_157 = tpu.memref_squeeze %dma_start3A_156 : memref<1x128xi32, #tpu.memory_space<vmem>> -> memref<128xi32, #tpu.memory_space<vmem>>
    %dma_start3A_158 = arith.constant 0 : i32
    %dma_start3A_159 = arith.constant 0 : i32
    %dma_start3A_160 = tpu.memref_slice %arg2[%dma_start3A_158, %dma_start3A_159] : memref<16384x144xf32, #tpu.memory_space<hbm>> -> memref<16384x144xf32, #tpu.memory_space<hbm>>
    tpu.enqueue_indirect_dma source(%dma_start3A_160 : memref<16384x144xf32, #tpu.memory_space<hbm>>) target(%arg6 : memref<128x144xf32, #tpu.memory_space<vmem>>) offsets(%dma_start3A_157 : memref<128xi32, #tpu.memory_space<vmem>>) semaphore(%arg8 : memref<!tpu.dma_semaphore, #tpu.memory_space<semaphore_mem>>)
    %dma_wait3A_161 = arith.constant 9 : i32
    %dma_wait3A_162 = arith.constant 0 : i32
    %dma_wait3A_163 = tpu.memref_slice %arg5[%dma_wait3A_161, %dma_wait3A_162] : memref<16x128xi32, #tpu.memory_space<vmem>> -> memref<1x128xi32, #tpu.memory_space<vmem>>
    %dma_wait3A_164 = tpu.memref_squeeze %dma_wait3A_163 : memref<1x128xi32, #tpu.memory_space<vmem>> -> memref<128xi32, #tpu.memory_space<vmem>>
    %dma_wait3A_165 = arith.constant 0 : i32
    %dma_wait3A_166 = arith.constant 0 : i32
    %dma_wait3A_167 = tpu.memref_slice %arg2[%dma_wait3A_165, %dma_wait3A_166] : memref<16384x144xf32, #tpu.memory_space<hbm>> -> memref<16384x144xf32, #tpu.memory_space<hbm>>
    tpu.wait_indirect_dma semaphore(%arg9 : memref<!tpu.dma_semaphore, #tpu.memory_space<semaphore_mem>>) src(%dma_wait3A_167 : memref<16384x144xf32, #tpu.memory_space<hbm>>) dst(%arg7 : memref<128x144xf32, #tpu.memory_space<vmem>>)
    %add3A_168 = arith.constant 1152 : i32
    %add3A_169 = arith.addi %mul3A_2, %add3A_168 : i32
    "tpu.region"() ({
      %run_scoped3A = tpu.sem_alloc : memref<!tpu.dma_semaphore, #tpu.memory_space<semaphore_mem>>
      %dma_start3A_259 = arith.constant 0 : i32
      %dma_start3A_260 = tpu.memref_slice %arg4[%add3A_169, %dma_start3A_259] : memref<65536x144xf32, #tpu.memory_space<hbm>> -> memref<128x144xf32, #tpu.memory_space<hbm>>
      %dma_start3A_261 = arith.constant 0 : i32
      %dma_start3A_262 = tpu.memref_slice %arg4[%add3A_169, %dma_start3A_261] : memref<65536x144xf32, #tpu.memory_space<hbm>> -> memref<128x144xf32, #tpu.memory_space<hbm>>
      tpu.enqueue_dma source(%arg7 : memref<128x144xf32, #tpu.memory_space<vmem>>) target(%dma_start3A_262 : memref<128x144xf32, #tpu.memory_space<hbm>>) target_semaphore(%run_scoped3A : memref<!tpu.dma_semaphore, #tpu.memory_space<semaphore_mem>>)
      %dma_wait3A_263 = arith.constant 0 : i32
      %dma_wait3A_264 = tpu.memref_slice %arg4[%add3A_169, %dma_wait3A_263] : memref<65536x144xf32, #tpu.memory_space<hbm>> -> memref<128x144xf32, #tpu.memory_space<hbm>>
      %dma_wait3A_265 = arith.constant 0 : i32
      %dma_wait3A_266 = tpu.memref_slice %arg4[%add3A_169, %dma_wait3A_265] : memref<65536x144xf32, #tpu.memory_space<hbm>> -> memref<128x144xf32, #tpu.memory_space<hbm>>
      tpu.wait_dma2 semaphore(%run_scoped3A : memref<!tpu.dma_semaphore, #tpu.memory_space<semaphore_mem>>) src(%arg7 : memref<128x144xf32, #tpu.memory_space<vmem>>) dst(%dma_wait3A_266 : memref<128x144xf32, #tpu.memory_space<hbm>>)
      tpu.yield
    }) : () -> ()
    %dma_start3A_170 = arith.constant 11 : i32
    %dma_start3A_171 = arith.constant 0 : i32
    %dma_start3A_172 = tpu.memref_slice %arg5[%dma_start3A_170, %dma_start3A_171] : memref<16x128xi32, #tpu.memory_space<vmem>> -> memref<1x128xi32, #tpu.memory_space<vmem>>
    %dma_start3A_173 = tpu.memref_squeeze %dma_start3A_172 : memref<1x128xi32, #tpu.memory_space<vmem>> -> memref<128xi32, #tpu.memory_space<vmem>>
    %dma_start3A_174 = arith.constant 0 : i32
    %dma_start3A_175 = arith.constant 0 : i32
    %dma_start3A_176 = tpu.memref_slice %arg2[%dma_start3A_174, %dma_start3A_175] : memref<16384x144xf32, #tpu.memory_space<hbm>> -> memref<16384x144xf32, #tpu.memory_space<hbm>>
    tpu.enqueue_indirect_dma source(%dma_start3A_176 : memref<16384x144xf32, #tpu.memory_space<hbm>>) target(%arg7 : memref<128x144xf32, #tpu.memory_space<vmem>>) offsets(%dma_start3A_173 : memref<128xi32, #tpu.memory_space<vmem>>) semaphore(%arg9 : memref<!tpu.dma_semaphore, #tpu.memory_space<semaphore_mem>>)
    %dma_wait3A_177 = arith.constant 10 : i32
    %dma_wait3A_178 = arith.constant 0 : i32
    %dma_wait3A_179 = tpu.memref_slice %arg5[%dma_wait3A_177, %dma_wait3A_178] : memref<16x128xi32, #tpu.memory_space<vmem>> -> memref<1x128xi32, #tpu.memory_space<vmem>>
    %dma_wait3A_180 = tpu.memref_squeeze %dma_wait3A_179 : memref<1x128xi32, #tpu.memory_space<vmem>> -> memref<128xi32, #tpu.memory_space<vmem>>
    %dma_wait3A_181 = arith.constant 0 : i32
    %dma_wait3A_182 = arith.constant 0 : i32
    %dma_wait3A_183 = tpu.memref_slice %arg2[%dma_wait3A_181, %dma_wait3A_182] : memref<16384x144xf32, #tpu.memory_space<hbm>> -> memref<16384x144xf32, #tpu.memory_space<hbm>>
    tpu.wait_indirect_dma semaphore(%arg8 : memref<!tpu.dma_semaphore, #tpu.memory_space<semaphore_mem>>) src(%dma_wait3A_183 : memref<16384x144xf32, #tpu.memory_space<hbm>>) dst(%arg6 : memref<128x144xf32, #tpu.memory_space<vmem>>)
    %add3A_184 = arith.constant 1280 : i32
    %add3A_185 = arith.addi %mul3A_2, %add3A_184 : i32
    "tpu.region"() ({
      %run_scoped3A = tpu.sem_alloc : memref<!tpu.dma_semaphore, #tpu.memory_space<semaphore_mem>>
      %dma_start3A_259 = arith.constant 0 : i32
      %dma_start3A_260 = tpu.memref_slice %arg4[%add3A_185, %dma_start3A_259] : memref<65536x144xf32, #tpu.memory_space<hbm>> -> memref<128x144xf32, #tpu.memory_space<hbm>>
      %dma_start3A_261 = arith.constant 0 : i32
      %dma_start3A_262 = tpu.memref_slice %arg4[%add3A_185, %dma_start3A_261] : memref<65536x144xf32, #tpu.memory_space<hbm>> -> memref<128x144xf32, #tpu.memory_space<hbm>>
      tpu.enqueue_dma source(%arg6 : memref<128x144xf32, #tpu.memory_space<vmem>>) target(%dma_start3A_262 : memref<128x144xf32, #tpu.memory_space<hbm>>) target_semaphore(%run_scoped3A : memref<!tpu.dma_semaphore, #tpu.memory_space<semaphore_mem>>)
      %dma_wait3A_263 = arith.constant 0 : i32
      %dma_wait3A_264 = tpu.memref_slice %arg4[%add3A_185, %dma_wait3A_263] : memref<65536x144xf32, #tpu.memory_space<hbm>> -> memref<128x144xf32, #tpu.memory_space<hbm>>
      %dma_wait3A_265 = arith.constant 0 : i32
      %dma_wait3A_266 = tpu.memref_slice %arg4[%add3A_185, %dma_wait3A_265] : memref<65536x144xf32, #tpu.memory_space<hbm>> -> memref<128x144xf32, #tpu.memory_space<hbm>>
      tpu.wait_dma2 semaphore(%run_scoped3A : memref<!tpu.dma_semaphore, #tpu.memory_space<semaphore_mem>>) src(%arg6 : memref<128x144xf32, #tpu.memory_space<vmem>>) dst(%dma_wait3A_266 : memref<128x144xf32, #tpu.memory_space<hbm>>)
      tpu.yield
    }) : () -> ()
    %dma_start3A_186 = arith.constant 12 : i32
    %dma_start3A_187 = arith.constant 0 : i32
    %dma_start3A_188 = tpu.memref_slice %arg5[%dma_start3A_186, %dma_start3A_187] : memref<16x128xi32, #tpu.memory_space<vmem>> -> memref<1x128xi32, #tpu.memory_space<vmem>>
    %dma_start3A_189 = tpu.memref_squeeze %dma_start3A_188 : memref<1x128xi32, #tpu.memory_space<vmem>> -> memref<128xi32, #tpu.memory_space<vmem>>
    %dma_start3A_190 = arith.constant 0 : i32
    %dma_start3A_191 = arith.constant 0 : i32
    %dma_start3A_192 = tpu.memref_slice %arg2[%dma_start3A_190, %dma_start3A_191] : memref<16384x144xf32, #tpu.memory_space<hbm>> -> memref<16384x144xf32, #tpu.memory_space<hbm>>
    tpu.enqueue_indirect_dma source(%dma_start3A_192 : memref<16384x144xf32, #tpu.memory_space<hbm>>) target(%arg6 : memref<128x144xf32, #tpu.memory_space<vmem>>) offsets(%dma_start3A_189 : memref<128xi32, #tpu.memory_space<vmem>>) semaphore(%arg8 : memref<!tpu.dma_semaphore, #tpu.memory_space<semaphore_mem>>)
    %dma_wait3A_193 = arith.constant 11 : i32
    %dma_wait3A_194 = arith.constant 0 : i32
    %dma_wait3A_195 = tpu.memref_slice %arg5[%dma_wait3A_193, %dma_wait3A_194] : memref<16x128xi32, #tpu.memory_space<vmem>> -> memref<1x128xi32, #tpu.memory_space<vmem>>
    %dma_wait3A_196 = tpu.memref_squeeze %dma_wait3A_195 : memref<1x128xi32, #tpu.memory_space<vmem>> -> memref<128xi32, #tpu.memory_space<vmem>>
    %dma_wait3A_197 = arith.constant 0 : i32
    %dma_wait3A_198 = arith.constant 0 : i32
    %dma_wait3A_199 = tpu.memref_slice %arg2[%dma_wait3A_197, %dma_wait3A_198] : memref<16384x144xf32, #tpu.memory_space<hbm>> -> memref<16384x144xf32, #tpu.memory_space<hbm>>
    tpu.wait_indirect_dma semaphore(%arg9 : memref<!tpu.dma_semaphore, #tpu.memory_space<semaphore_mem>>) src(%dma_wait3A_199 : memref<16384x144xf32, #tpu.memory_space<hbm>>) dst(%arg7 : memref<128x144xf32, #tpu.memory_space<vmem>>)
    %add3A_200 = arith.constant 1408 : i32
    %add3A_201 = arith.addi %mul3A_2, %add3A_200 : i32
    "tpu.region"() ({
      %run_scoped3A = tpu.sem_alloc : memref<!tpu.dma_semaphore, #tpu.memory_space<semaphore_mem>>
      %dma_start3A_259 = arith.constant 0 : i32
      %dma_start3A_260 = tpu.memref_slice %arg4[%add3A_201, %dma_start3A_259] : memref<65536x144xf32, #tpu.memory_space<hbm>> -> memref<128x144xf32, #tpu.memory_space<hbm>>
      %dma_start3A_261 = arith.constant 0 : i32
      %dma_start3A_262 = tpu.memref_slice %arg4[%add3A_201, %dma_start3A_261] : memref<65536x144xf32, #tpu.memory_space<hbm>> -> memref<128x144xf32, #tpu.memory_space<hbm>>
      tpu.enqueue_dma source(%arg7 : memref<128x144xf32, #tpu.memory_space<vmem>>) target(%dma_start3A_262 : memref<128x144xf32, #tpu.memory_space<hbm>>) target_semaphore(%run_scoped3A : memref<!tpu.dma_semaphore, #tpu.memory_space<semaphore_mem>>)
      %dma_wait3A_263 = arith.constant 0 : i32
      %dma_wait3A_264 = tpu.memref_slice %arg4[%add3A_201, %dma_wait3A_263] : memref<65536x144xf32, #tpu.memory_space<hbm>> -> memref<128x144xf32, #tpu.memory_space<hbm>>
      %dma_wait3A_265 = arith.constant 0 : i32
      %dma_wait3A_266 = tpu.memref_slice %arg4[%add3A_201, %dma_wait3A_265] : memref<65536x144xf32, #tpu.memory_space<hbm>> -> memref<128x144xf32, #tpu.memory_space<hbm>>
      tpu.wait_dma2 semaphore(%run_scoped3A : memref<!tpu.dma_semaphore, #tpu.memory_space<semaphore_mem>>) src(%arg7 : memref<128x144xf32, #tpu.memory_space<vmem>>) dst(%dma_wait3A_266 : memref<128x144xf32, #tpu.memory_space<hbm>>)
      tpu.yield
    }) : () -> ()
    %dma_start3A_202 = arith.constant 13 : i32
    %dma_start3A_203 = arith.constant 0 : i32
    %dma_start3A_204 = tpu.memref_slice %arg5[%dma_start3A_202, %dma_start3A_203] : memref<16x128xi32, #tpu.memory_space<vmem>> -> memref<1x128xi32, #tpu.memory_space<vmem>>
    %dma_start3A_205 = tpu.memref_squeeze %dma_start3A_204 : memref<1x128xi32, #tpu.memory_space<vmem>> -> memref<128xi32, #tpu.memory_space<vmem>>
    %dma_start3A_206 = arith.constant 0 : i32
    %dma_start3A_207 = arith.constant 0 : i32
    %dma_start3A_208 = tpu.memref_slice %arg2[%dma_start3A_206, %dma_start3A_207] : memref<16384x144xf32, #tpu.memory_space<hbm>> -> memref<16384x144xf32, #tpu.memory_space<hbm>>
    tpu.enqueue_indirect_dma source(%dma_start3A_208 : memref<16384x144xf32, #tpu.memory_space<hbm>>) target(%arg7 : memref<128x144xf32, #tpu.memory_space<vmem>>) offsets(%dma_start3A_205 : memref<128xi32, #tpu.memory_space<vmem>>) semaphore(%arg9 : memref<!tpu.dma_semaphore, #tpu.memory_space<semaphore_mem>>)
    %dma_wait3A_209 = arith.constant 12 : i32
    %dma_wait3A_210 = arith.constant 0 : i32
    %dma_wait3A_211 = tpu.memref_slice %arg5[%dma_wait3A_209, %dma_wait3A_210] : memref<16x128xi32, #tpu.memory_space<vmem>> -> memref<1x128xi32, #tpu.memory_space<vmem>>
    %dma_wait3A_212 = tpu.memref_squeeze %dma_wait3A_211 : memref<1x128xi32, #tpu.memory_space<vmem>> -> memref<128xi32, #tpu.memory_space<vmem>>
    %dma_wait3A_213 = arith.constant 0 : i32
    %dma_wait3A_214 = arith.constant 0 : i32
    %dma_wait3A_215 = tpu.memref_slice %arg2[%dma_wait3A_213, %dma_wait3A_214] : memref<16384x144xf32, #tpu.memory_space<hbm>> -> memref<16384x144xf32, #tpu.memory_space<hbm>>
    tpu.wait_indirect_dma semaphore(%arg8 : memref<!tpu.dma_semaphore, #tpu.memory_space<semaphore_mem>>) src(%dma_wait3A_215 : memref<16384x144xf32, #tpu.memory_space<hbm>>) dst(%arg6 : memref<128x144xf32, #tpu.memory_space<vmem>>)
    %add3A_216 = arith.constant 1536 : i32
    %add3A_217 = arith.addi %mul3A_2, %add3A_216 : i32
    "tpu.region"() ({
      %run_scoped3A = tpu.sem_alloc : memref<!tpu.dma_semaphore, #tpu.memory_space<semaphore_mem>>
      %dma_start3A_259 = arith.constant 0 : i32
      %dma_start3A_260 = tpu.memref_slice %arg4[%add3A_217, %dma_start3A_259] : memref<65536x144xf32, #tpu.memory_space<hbm>> -> memref<128x144xf32, #tpu.memory_space<hbm>>
      %dma_start3A_261 = arith.constant 0 : i32
      %dma_start3A_262 = tpu.memref_slice %arg4[%add3A_217, %dma_start3A_261] : memref<65536x144xf32, #tpu.memory_space<hbm>> -> memref<128x144xf32, #tpu.memory_space<hbm>>
      tpu.enqueue_dma source(%arg6 : memref<128x144xf32, #tpu.memory_space<vmem>>) target(%dma_start3A_262 : memref<128x144xf32, #tpu.memory_space<hbm>>) target_semaphore(%run_scoped3A : memref<!tpu.dma_semaphore, #tpu.memory_space<semaphore_mem>>)
      %dma_wait3A_263 = arith.constant 0 : i32
      %dma_wait3A_264 = tpu.memref_slice %arg4[%add3A_217, %dma_wait3A_263] : memref<65536x144xf32, #tpu.memory_space<hbm>> -> memref<128x144xf32, #tpu.memory_space<hbm>>
      %dma_wait3A_265 = arith.constant 0 : i32
      %dma_wait3A_266 = tpu.memref_slice %arg4[%add3A_217, %dma_wait3A_265] : memref<65536x144xf32, #tpu.memory_space<hbm>> -> memref<128x144xf32, #tpu.memory_space<hbm>>
      tpu.wait_dma2 semaphore(%run_scoped3A : memref<!tpu.dma_semaphore, #tpu.memory_space<semaphore_mem>>) src(%arg6 : memref<128x144xf32, #tpu.memory_space<vmem>>) dst(%dma_wait3A_266 : memref<128x144xf32, #tpu.memory_space<hbm>>)
      tpu.yield
    }) : () -> ()
    %dma_start3A_218 = arith.constant 14 : i32
    %dma_start3A_219 = arith.constant 0 : i32
    %dma_start3A_220 = tpu.memref_slice %arg5[%dma_start3A_218, %dma_start3A_219] : memref<16x128xi32, #tpu.memory_space<vmem>> -> memref<1x128xi32, #tpu.memory_space<vmem>>
    %dma_start3A_221 = tpu.memref_squeeze %dma_start3A_220 : memref<1x128xi32, #tpu.memory_space<vmem>> -> memref<128xi32, #tpu.memory_space<vmem>>
    %dma_start3A_222 = arith.constant 0 : i32
    %dma_start3A_223 = arith.constant 0 : i32
    %dma_start3A_224 = tpu.memref_slice %arg2[%dma_start3A_222, %dma_start3A_223] : memref<16384x144xf32, #tpu.memory_space<hbm>> -> memref<16384x144xf32, #tpu.memory_space<hbm>>
    tpu.enqueue_indirect_dma source(%dma_start3A_224 : memref<16384x144xf32, #tpu.memory_space<hbm>>) target(%arg6 : memref<128x144xf32, #tpu.memory_space<vmem>>) offsets(%dma_start3A_221 : memref<128xi32, #tpu.memory_space<vmem>>) semaphore(%arg8 : memref<!tpu.dma_semaphore, #tpu.memory_space<semaphore_mem>>)
    %dma_wait3A_225 = arith.constant 13 : i32
    %dma_wait3A_226 = arith.constant 0 : i32
    %dma_wait3A_227 = tpu.memref_slice %arg5[%dma_wait3A_225, %dma_wait3A_226] : memref<16x128xi32, #tpu.memory_space<vmem>> -> memref<1x128xi32, #tpu.memory_space<vmem>>
    %dma_wait3A_228 = tpu.memref_squeeze %dma_wait3A_227 : memref<1x128xi32, #tpu.memory_space<vmem>> -> memref<128xi32, #tpu.memory_space<vmem>>
    %dma_wait3A_229 = arith.constant 0 : i32
    %dma_wait3A_230 = arith.constant 0 : i32
    %dma_wait3A_231 = tpu.memref_slice %arg2[%dma_wait3A_229, %dma_wait3A_230] : memref<16384x144xf32, #tpu.memory_space<hbm>> -> memref<16384x144xf32, #tpu.memory_space<hbm>>
    tpu.wait_indirect_dma semaphore(%arg9 : memref<!tpu.dma_semaphore, #tpu.memory_space<semaphore_mem>>) src(%dma_wait3A_231 : memref<16384x144xf32, #tpu.memory_space<hbm>>) dst(%arg7 : memref<128x144xf32, #tpu.memory_space<vmem>>)
    %add3A_232 = arith.constant 1664 : i32
    %add3A_233 = arith.addi %mul3A_2, %add3A_232 : i32
    "tpu.region"() ({
      %run_scoped3A = tpu.sem_alloc : memref<!tpu.dma_semaphore, #tpu.memory_space<semaphore_mem>>
      %dma_start3A_259 = arith.constant 0 : i32
      %dma_start3A_260 = tpu.memref_slice %arg4[%add3A_233, %dma_start3A_259] : memref<65536x144xf32, #tpu.memory_space<hbm>> -> memref<128x144xf32, #tpu.memory_space<hbm>>
      %dma_start3A_261 = arith.constant 0 : i32
      %dma_start3A_262 = tpu.memref_slice %arg4[%add3A_233, %dma_start3A_261] : memref<65536x144xf32, #tpu.memory_space<hbm>> -> memref<128x144xf32, #tpu.memory_space<hbm>>
      tpu.enqueue_dma source(%arg7 : memref<128x144xf32, #tpu.memory_space<vmem>>) target(%dma_start3A_262 : memref<128x144xf32, #tpu.memory_space<hbm>>) target_semaphore(%run_scoped3A : memref<!tpu.dma_semaphore, #tpu.memory_space<semaphore_mem>>)
      %dma_wait3A_263 = arith.constant 0 : i32
      %dma_wait3A_264 = tpu.memref_slice %arg4[%add3A_233, %dma_wait3A_263] : memref<65536x144xf32, #tpu.memory_space<hbm>> -> memref<128x144xf32, #tpu.memory_space<hbm>>
      %dma_wait3A_265 = arith.constant 0 : i32
      %dma_wait3A_266 = tpu.memref_slice %arg4[%add3A_233, %dma_wait3A_265] : memref<65536x144xf32, #tpu.memory_space<hbm>> -> memref<128x144xf32, #tpu.memory_space<hbm>>
      tpu.wait_dma2 semaphore(%run_scoped3A : memref<!tpu.dma_semaphore, #tpu.memory_space<semaphore_mem>>) src(%arg7 : memref<128x144xf32, #tpu.memory_space<vmem>>) dst(%dma_wait3A_266 : memref<128x144xf32, #tpu.memory_space<hbm>>)
      tpu.yield
    }) : () -> ()
    %dma_start3A_234 = arith.constant 15 : i32
    %dma_start3A_235 = arith.constant 0 : i32
    %dma_start3A_236 = tpu.memref_slice %arg5[%dma_start3A_234, %dma_start3A_235] : memref<16x128xi32, #tpu.memory_space<vmem>> -> memref<1x128xi32, #tpu.memory_space<vmem>>
    %dma_start3A_237 = tpu.memref_squeeze %dma_start3A_236 : memref<1x128xi32, #tpu.memory_space<vmem>> -> memref<128xi32, #tpu.memory_space<vmem>>
    %dma_start3A_238 = arith.constant 0 : i32
    %dma_start3A_239 = arith.constant 0 : i32
    %dma_start3A_240 = tpu.memref_slice %arg2[%dma_start3A_238, %dma_start3A_239] : memref<16384x144xf32, #tpu.memory_space<hbm>> -> memref<16384x144xf32, #tpu.memory_space<hbm>>
    tpu.enqueue_indirect_dma source(%dma_start3A_240 : memref<16384x144xf32, #tpu.memory_space<hbm>>) target(%arg7 : memref<128x144xf32, #tpu.memory_space<vmem>>) offsets(%dma_start3A_237 : memref<128xi32, #tpu.memory_space<vmem>>) semaphore(%arg9 : memref<!tpu.dma_semaphore, #tpu.memory_space<semaphore_mem>>)
    %dma_wait3A_241 = arith.constant 14 : i32
    %dma_wait3A_242 = arith.constant 0 : i32
    %dma_wait3A_243 = tpu.memref_slice %arg5[%dma_wait3A_241, %dma_wait3A_242] : memref<16x128xi32, #tpu.memory_space<vmem>> -> memref<1x128xi32, #tpu.memory_space<vmem>>
    %dma_wait3A_244 = tpu.memref_squeeze %dma_wait3A_243 : memref<1x128xi32, #tpu.memory_space<vmem>> -> memref<128xi32, #tpu.memory_space<vmem>>
    %dma_wait3A_245 = arith.constant 0 : i32
    %dma_wait3A_246 = arith.constant 0 : i32
    %dma_wait3A_247 = tpu.memref_slice %arg2[%dma_wait3A_245, %dma_wait3A_246] : memref<16384x144xf32, #tpu.memory_space<hbm>> -> memref<16384x144xf32, #tpu.memory_space<hbm>>
    tpu.wait_indirect_dma semaphore(%arg8 : memref<!tpu.dma_semaphore, #tpu.memory_space<semaphore_mem>>) src(%dma_wait3A_247 : memref<16384x144xf32, #tpu.memory_space<hbm>>) dst(%arg6 : memref<128x144xf32, #tpu.memory_space<vmem>>)
    %add3A_248 = arith.constant 1792 : i32
    %add3A_249 = arith.addi %mul3A_2, %add3A_248 : i32
    "tpu.region"() ({
      %run_scoped3A = tpu.sem_alloc : memref<!tpu.dma_semaphore, #tpu.memory_space<semaphore_mem>>
      %dma_start3A_259 = arith.constant 0 : i32
      %dma_start3A_260 = tpu.memref_slice %arg4[%add3A_249, %dma_start3A_259] : memref<65536x144xf32, #tpu.memory_space<hbm>> -> memref<128x144xf32, #tpu.memory_space<hbm>>
      %dma_start3A_261 = arith.constant 0 : i32
      %dma_start3A_262 = tpu.memref_slice %arg4[%add3A_249, %dma_start3A_261] : memref<65536x144xf32, #tpu.memory_space<hbm>> -> memref<128x144xf32, #tpu.memory_space<hbm>>
      tpu.enqueue_dma source(%arg6 : memref<128x144xf32, #tpu.memory_space<vmem>>) target(%dma_start3A_262 : memref<128x144xf32, #tpu.memory_space<hbm>>) target_semaphore(%run_scoped3A : memref<!tpu.dma_semaphore, #tpu.memory_space<semaphore_mem>>)
      %dma_wait3A_263 = arith.constant 0 : i32
      %dma_wait3A_264 = tpu.memref_slice %arg4[%add3A_249, %dma_wait3A_263] : memref<65536x144xf32, #tpu.memory_space<hbm>> -> memref<128x144xf32, #tpu.memory_space<hbm>>
      %dma_wait3A_265 = arith.constant 0 : i32
      %dma_wait3A_266 = tpu.memref_slice %arg4[%add3A_249, %dma_wait3A_265] : memref<65536x144xf32, #tpu.memory_space<hbm>> -> memref<128x144xf32, #tpu.memory_space<hbm>>
      tpu.wait_dma2 semaphore(%run_scoped3A : memref<!tpu.dma_semaphore, #tpu.memory_space<semaphore_mem>>) src(%arg6 : memref<128x144xf32, #tpu.memory_space<vmem>>) dst(%dma_wait3A_266 : memref<128x144xf32, #tpu.memory_space<hbm>>)
      tpu.yield
    }) : () -> ()
    %dma_wait3A_250 = arith.constant 15 : i32
    %dma_wait3A_251 = arith.constant 0 : i32
    %dma_wait3A_252 = tpu.memref_slice %arg5[%dma_wait3A_250, %dma_wait3A_251] : memref<16x128xi32, #tpu.memory_space<vmem>> -> memref<1x128xi32, #tpu.memory_space<vmem>>
    %dma_wait3A_253 = tpu.memref_squeeze %dma_wait3A_252 : memref<1x128xi32, #tpu.memory_space<vmem>> -> memref<128xi32, #tpu.memory_space<vmem>>
    %dma_wait3A_254 = arith.constant 0 : i32
    %dma_wait3A_255 = arith.constant 0 : i32
    %dma_wait3A_256 = tpu.memref_slice %arg2[%dma_wait3A_254, %dma_wait3A_255] : memref<16384x144xf32, #tpu.memory_space<hbm>> -> memref<16384x144xf32, #tpu.memory_space<hbm>>
    tpu.wait_indirect_dma semaphore(%arg9 : memref<!tpu.dma_semaphore, #tpu.memory_space<semaphore_mem>>) src(%dma_wait3A_256 : memref<16384x144xf32, #tpu.memory_space<hbm>>) dst(%arg7 : memref<128x144xf32, #tpu.memory_space<vmem>>)
    %add3A_257 = arith.constant 1920 : i32
    %add3A_258 = arith.addi %mul3A_2, %add3A_257 : i32
    "tpu.region"() ({
      %run_scoped3A = tpu.sem_alloc : memref<!tpu.dma_semaphore, #tpu.memory_space<semaphore_mem>>
      %dma_start3A_259 = arith.constant 0 : i32
      %dma_start3A_260 = tpu.memref_slice %arg4[%add3A_258, %dma_start3A_259] : memref<65536x144xf32, #tpu.memory_space<hbm>> -> memref<128x144xf32, #tpu.memory_space<hbm>>
      %dma_start3A_261 = arith.constant 0 : i32
      %dma_start3A_262 = tpu.memref_slice %arg4[%add3A_258, %dma_start3A_261] : memref<65536x144xf32, #tpu.memory_space<hbm>> -> memref<128x144xf32, #tpu.memory_space<hbm>>
      tpu.enqueue_dma source(%arg7 : memref<128x144xf32, #tpu.memory_space<vmem>>) target(%dma_start3A_262 : memref<128x144xf32, #tpu.memory_space<hbm>>) target_semaphore(%run_scoped3A : memref<!tpu.dma_semaphore, #tpu.memory_space<semaphore_mem>>)
      %dma_wait3A_263 = arith.constant 0 : i32
      %dma_wait3A_264 = tpu.memref_slice %arg4[%add3A_258, %dma_wait3A_263] : memref<65536x144xf32, #tpu.memory_space<hbm>> -> memref<128x144xf32, #tpu.memory_space<hbm>>
      %dma_wait3A_265 = arith.constant 0 : i32
      %dma_wait3A_266 = tpu.memref_slice %arg4[%add3A_258, %dma_wait3A_265] : memref<65536x144xf32, #tpu.memory_space<hbm>> -> memref<128x144xf32, #tpu.memory_space<hbm>>
      tpu.wait_dma2 semaphore(%run_scoped3A : memref<!tpu.dma_semaphore, #tpu.memory_space<semaphore_mem>>) src(%arg7 : memref<128x144xf32, #tpu.memory_space<vmem>>) dst(%dma_wait3A_266 : memref<128x144xf32, #tpu.memory_space<hbm>>)
      tpu.yield
    }) : () -> ()
    return
  }
}

module attributes {stable_mosaic.version = 14 : i64} {
  func.func @_fps_body(%arg0: memref<2x3x8x1024xf32, #tpu.memory_space<vmem>>, %arg1: memref<2x8192x3xf32, #tpu.memory_space<vmem>>, %arg2: memref<2x2048x3xf32, #tpu.memory_space<vmem>>) attributes {dimension_semantics = [], scalar_prefetch = 0 : i64, scratch_operands = 0 : i64, tpu.core_type = #tpu.core_type<tc>} {
    %get3A = arith.constant 0 : index
    %get3A_0 = arith.constant 0 : index
    %get3A_1 = arith.constant 0 : index
    %get3A_2 = arith.constant 0 : index
    %get3A_3 = vector.load %arg0[%get3A, %get3A_0, %get3A_1, %get3A_2] : memref<2x3x8x1024xf32, #tpu.memory_space<vmem>>, vector<1x1x8x1024xf32>
    %get3A_4 = vector.shape_cast %get3A_3 : vector<1x1x8x1024xf32> to vector<8x1024xf32>
    %get3A_5 = arith.constant 0 : index
    %get3A_6 = arith.constant 1 : index
    %get3A_7 = arith.constant 0 : index
    %get3A_8 = arith.constant 0 : index
    %get3A_9 = vector.load %arg0[%get3A_5, %get3A_6, %get3A_7, %get3A_8] : memref<2x3x8x1024xf32, #tpu.memory_space<vmem>>, vector<1x1x8x1024xf32>
    %get3A_10 = vector.shape_cast %get3A_9 : vector<1x1x8x1024xf32> to vector<8x1024xf32>
    %get3A_11 = arith.constant 0 : index
    %get3A_12 = arith.constant 2 : index
    %get3A_13 = arith.constant 0 : index
    %get3A_14 = arith.constant 0 : index
    %get3A_15 = vector.load %arg0[%get3A_11, %get3A_12, %get3A_13, %get3A_14] : memref<2x3x8x1024xf32, #tpu.memory_space<vmem>>, vector<1x1x8x1024xf32>
    %get3A_16 = vector.shape_cast %get3A_15 : vector<1x1x8x1024xf32> to vector<8x1024xf32>
    %get3A_17 = arith.constant 1 : index
    %get3A_18 = arith.constant 0 : index
    %get3A_19 = arith.constant 0 : index
    %get3A_20 = arith.constant 0 : index
    %get3A_21 = vector.load %arg0[%get3A_17, %get3A_18, %get3A_19, %get3A_20] : memref<2x3x8x1024xf32, #tpu.memory_space<vmem>>, vector<1x1x8x1024xf32>
    %get3A_22 = vector.shape_cast %get3A_21 : vector<1x1x8x1024xf32> to vector<8x1024xf32>
    %get3A_23 = arith.constant 1 : index
    %get3A_24 = arith.constant 1 : index
    %get3A_25 = arith.constant 0 : index
    %get3A_26 = arith.constant 0 : index
    %get3A_27 = vector.load %arg0[%get3A_23, %get3A_24, %get3A_25, %get3A_26] : memref<2x3x8x1024xf32, #tpu.memory_space<vmem>>, vector<1x1x8x1024xf32>
    %get3A_28 = vector.shape_cast %get3A_27 : vector<1x1x8x1024xf32> to vector<8x1024xf32>
    %get3A_29 = arith.constant 1 : index
    %get3A_30 = arith.constant 2 : index
    %get3A_31 = arith.constant 0 : index
    %get3A_32 = arith.constant 0 : index
    %get3A_33 = vector.load %arg0[%get3A_29, %get3A_30, %get3A_31, %get3A_32] : memref<2x3x8x1024xf32, #tpu.memory_space<vmem>>, vector<1x1x8x1024xf32>
    %get3A_34 = vector.shape_cast %get3A_33 : vector<1x1x8x1024xf32> to vector<8x1024xf32>
    %iota3A = tpu.iota {dimensions = array<i32: 0>} : vector<8x1024xi32>
    %mul3A = arith.constant 1024 : i32
    %mul3A_35 = vector.broadcast %mul3A : i32 to vector<8x1024xi32>
    %mul3A_36 = arith.muli %iota3A, %mul3A_35 : vector<8x1024xi32>
    %iota3A_37 = tpu.iota {dimensions = array<i32: 1>} : vector<8x1024xi32>
    %add3A = arith.addi %mul3A_36, %iota3A_37 : vector<8x1024xi32>
    %broadcast_in_dim3A = arith.constant 1.000000e+10 : f32
    %broadcast_in_dim3A_38 = vector.broadcast %broadcast_in_dim3A : f32 to vector<8x1024xf32>
    %scan3A = arith.constant 0 : i32
    %scan3A_39 = arith.constant 0 : i32
    %scan3A_40 = arith.constant 0 : i32
    %scan3A_41 = arith.constant 2048 : i32
    %scan3A_42 = arith.addi %scan3A_40, %scan3A_41 : i32
    %scan3A_43 = arith.constant 1 : i32
    %scan3A_44:4 = scf.for %scan3A_46 = %scan3A_40 to %scan3A_42 step %scan3A_43 iter_args(%scan3A_47 = %broadcast_in_dim3A_38, %scan3A_48 = %broadcast_in_dim3A_38, %scan3A_49 = %scan3A, %scan3A_50 = %scan3A_39) -> (vector<8x1024xf32>, vector<8x1024xf32>, i32, i32)  : i32 {
      %get3A_51 = arith.constant 0 : index
      %get3A_52 = arith.index_cast %scan3A_49 : i32 to index
      %get3A_53 = arith.constant 0 : index
      %get3A_54 = vector.load %arg1[%get3A_51, %get3A_52, %get3A_53] : memref<2x8192x3xf32, #tpu.memory_space<vmem>>, vector<1x1x3xf32>
      %get3A_55 = vector.shape_cast %get3A_54 : vector<1x1x3xf32> to vector<1x3xf32>
      %swap3A = arith.constant 0 : index
      %swap3A_56 = arith.index_cast %scan3A_46 : i32 to index
      %swap3A_57 = arith.constant 0 : index
      %swap3A_58 = vector.load %arg2[%swap3A, %swap3A_56, %swap3A_57] : memref<2x2048x3xf32, #tpu.memory_space<vmem>>, vector<1x1x3xf32>
      %swap3A_59 = vector.shape_cast %swap3A_58 : vector<1x1x3xf32> to vector<1x3xf32>
      %swap3A_60 = vector.shape_cast %get3A_55 : vector<1x3xf32> to vector<1x1x3xf32>
      tpu.vector_store %arg2[%swap3A, %swap3A_56, %swap3A_57], %swap3A_60 {strides = array<i32>} : memref<2x2048x3xf32, #tpu.memory_space<vmem>>, vector<1x1x3xf32>,
      %slice3A = vector.extract_strided_slice %get3A_55 {offsets = [0, 0], sizes = [1, 1], strides = [1, 1]} : vector<1x3xf32> to vector<1x1xf32>
      %sub3A = vector.broadcast %slice3A : vector<1x1xf32> to vector<8x1024xf32>
      %sub3A_61 = arith.subf %get3A_4, %sub3A : vector<8x1024xf32>
      %integer_pow3A = arith.mulf %sub3A_61, %sub3A_61 : vector<8x1024xf32>
      %slice3A_62 = vector.extract_strided_slice %get3A_55 {offsets = [0, 1], sizes = [1, 1], strides = [1, 1]} : vector<1x3xf32> to vector<1x1xf32>
      %sub3A_63 = vector.broadcast %slice3A_62 : vector<1x1xf32> to vector<8x1024xf32>
      %sub3A_64 = arith.subf %get3A_10, %sub3A_63 : vector<8x1024xf32>
      %integer_pow3A_65 = arith.mulf %sub3A_64, %sub3A_64 : vector<8x1024xf32>
      %add3A_66 = arith.addf %integer_pow3A, %integer_pow3A_65 : vector<8x1024xf32>
      %slice3A_67 = vector.extract_strided_slice %get3A_55 {offsets = [0, 2], sizes = [1, 1], strides = [1, 1]} : vector<1x3xf32> to vector<1x1xf32>
      %sub3A_68 = vector.broadcast %slice3A_67 : vector<1x1xf32> to vector<8x1024xf32>
      %sub3A_69 = arith.subf %get3A_16, %sub3A_68 : vector<8x1024xf32>
      %integer_pow3A_70 = arith.mulf %sub3A_69, %sub3A_69 : vector<8x1024xf32>
      %add3A_71 = arith.addf %add3A_66, %integer_pow3A_70 : vector<8x1024xf32>
      %min3A = arith.minimumf %scan3A_47, %add3A_71 : vector<8x1024xf32>
      %reduce_max3A = vector.shape_cast %min3A : vector<8x1024xf32> to vector<1x8x1024xf32>
      %reduce_max3A_72 = arith.constant dense<0xFF800000> : vector<1xf32>
      %reduce_max3A_73 = vector.multi_reduction <maximumf>, %reduce_max3A, %reduce_max3A_72 [1, 2] : vector<1x8x1024xf32> to vector<1xf32>
      %reduce_max3A_74 = vector.shape_cast %reduce_max3A_73 : vector<1xf32> to vector<1x1x1xf32>
      %reduce_max3A_75 = vector.extract %reduce_max3A_74[0, 0, 0] : f32 from vector<1x1x1xf32>
      %eq3A = vector.broadcast %reduce_max3A_75 : f32 to vector<8x1024xf32>
      %eq3A_76 = arith.cmpf oeq, %min3A, %eq3A : vector<8x1024xf32>
      %jit3A = arith.constant 8192 : i32
      %broadcast_in_dim3A_77 = vector.broadcast %jit3A : i32 to vector<8x1024xi32>
      %select_n3A = arith.select %eq3A_76, %add3A, %broadcast_in_dim3A_77 : vector<8x1024xi1>, vector<8x1024xi32>
      %reduce_min3A = vector.shape_cast %select_n3A : vector<8x1024xi32> to vector<1x8x1024xi32>
      %reduce_min3A_78 = arith.constant dense<2147483647> : vector<1xi32>
      %reduce_min3A_79 = vector.multi_reduction <minsi>, %reduce_min3A, %reduce_min3A_78 [1, 2] : vector<1x8x1024xi32> to vector<1xi32>
      %reduce_min3A_80 = vector.shape_cast %reduce_min3A_79 : vector<1xi32> to vector<1x1x1xi32>
      %reduce_min3A_81 = vector.extract %reduce_min3A_80[0, 0, 0] : i32 from vector<1x1x1xi32>
      %get3A_82 = arith.constant 1 : index
      %get3A_83 = arith.index_cast %scan3A_50 : i32 to index
      %get3A_84 = arith.constant 0 : index
      %get3A_85 = vector.load %arg1[%get3A_82, %get3A_83, %get3A_84] : memref<2x8192x3xf32, #tpu.memory_space<vmem>>, vector<1x1x3xf32>
      %get3A_86 = vector.shape_cast %get3A_85 : vector<1x1x3xf32> to vector<1x3xf32>
      %swap3A_87 = arith.constant 1 : index
      %swap3A_88 = arith.index_cast %scan3A_46 : i32 to index
      %swap3A_89 = arith.constant 0 : index
      %swap3A_90 = vector.load %arg2[%swap3A_87, %swap3A_88, %swap3A_89] : memref<2x2048x3xf32, #tpu.memory_space<vmem>>, vector<1x1x3xf32>
      %swap3A_91 = vector.shape_cast %swap3A_90 : vector<1x1x3xf32> to vector<1x3xf32>
      %swap3A_92 = vector.shape_cast %get3A_86 : vector<1x3xf32> to vector<1x1x3xf32>
      tpu.vector_store %arg2[%swap3A_87, %swap3A_88, %swap3A_89], %swap3A_92 {strides = array<i32>} : memref<2x2048x3xf32, #tpu.memory_space<vmem>>, vector<1x1x3xf32>,
      %slice3A_93 = vector.extract_strided_slice %get3A_86 {offsets = [0, 0], sizes = [1, 1], strides = [1, 1]} : vector<1x3xf32> to vector<1x1xf32>
      %sub3A_94 = vector.broadcast %slice3A_93 : vector<1x1xf32> to vector<8x1024xf32>
      %sub3A_95 = arith.subf %get3A_22, %sub3A_94 : vector<8x1024xf32>
      %integer_pow3A_96 = arith.mulf %sub3A_95, %sub3A_95 : vector<8x1024xf32>
      %slice3A_97 = vector.extract_strided_slice %get3A_86 {offsets = [0, 1], sizes = [1, 1], strides = [1, 1]} : vector<1x3xf32> to vector<1x1xf32>
      %sub3A_98 = vector.broadcast %slice3A_97 : vector<1x1xf32> to vector<8x1024xf32>
      %sub3A_99 = arith.subf %get3A_28, %sub3A_98 : vector<8x1024xf32>
      %integer_pow3A_100 = arith.mulf %sub3A_99, %sub3A_99 : vector<8x1024xf32>
      %add3A_101 = arith.addf %integer_pow3A_96, %integer_pow3A_100 : vector<8x1024xf32>
      %slice3A_102 = vector.extract_strided_slice %get3A_86 {offsets = [0, 2], sizes = [1, 1], strides = [1, 1]} : vector<1x3xf32> to vector<1x1xf32>
      %sub3A_103 = vector.broadcast %slice3A_102 : vector<1x1xf32> to vector<8x1024xf32>
      %sub3A_104 = arith.subf %get3A_34, %sub3A_103 : vector<8x1024xf32>
      %integer_pow3A_105 = arith.mulf %sub3A_104, %sub3A_104 : vector<8x1024xf32>
      %add3A_106 = arith.addf %add3A_101, %integer_pow3A_105 : vector<8x1024xf32>
      %min3A_107 = arith.minimumf %scan3A_48, %add3A_106 : vector<8x1024xf32>
      %reduce_max3A_108 = vector.shape_cast %min3A_107 : vector<8x1024xf32> to vector<1x8x1024xf32>
      %reduce_max3A_109 = arith.constant dense<0xFF800000> : vector<1xf32>
      %reduce_max3A_110 = vector.multi_reduction <maximumf>, %reduce_max3A_108, %reduce_max3A_109 [1, 2] : vector<1x8x1024xf32> to vector<1xf32>
      %reduce_max3A_111 = vector.shape_cast %reduce_max3A_110 : vector<1xf32> to vector<1x1x1xf32>
      %reduce_max3A_112 = vector.extract %reduce_max3A_111[0, 0, 0] : f32 from vector<1x1x1xf32>
      %eq3A_113 = vector.broadcast %reduce_max3A_112 : f32 to vector<8x1024xf32>
      %eq3A_114 = arith.cmpf oeq, %min3A_107, %eq3A_113 : vector<8x1024xf32>
      %jit3A_115 = arith.constant 8192 : i32
      %broadcast_in_dim3A_116 = vector.broadcast %jit3A_115 : i32 to vector<8x1024xi32>
      %select_n3A_117 = arith.select %eq3A_114, %add3A, %broadcast_in_dim3A_116 : vector<8x1024xi1>, vector<8x1024xi32>
      %reduce_min3A_118 = vector.shape_cast %select_n3A_117 : vector<8x1024xi32> to vector<1x8x1024xi32>
      %reduce_min3A_119 = arith.constant dense<2147483647> : vector<1xi32>
      %reduce_min3A_120 = vector.multi_reduction <minsi>, %reduce_min3A_118, %reduce_min3A_119 [1, 2] : vector<1x8x1024xi32> to vector<1xi32>
      %reduce_min3A_121 = vector.shape_cast %reduce_min3A_120 : vector<1xi32> to vector<1x1x1xi32>
      %reduce_min3A_122 = vector.extract %reduce_min3A_121[0, 0, 0] : i32 from vector<1x1x1xi32>
      scf.yield %min3A, %min3A_107, %reduce_min3A_81, %reduce_min3A_122 : vector<8x1024xf32>, vector<8x1024xf32>, i32, i32
    }
    %scan3A_45 = arith.constant 2048 : i32
    return
  }
}

module attributes {stable_mosaic.version = 14 : i64} {
  func.func @_knn_body(%arg0: i32, %arg1: i32, %arg2: memref<1x256x3xf32, #tpu.memory_space<vmem>>, %arg3: memref<1x3x8192xf32, #tpu.memory_space<vmem>>, %arg4: memref<1x256x16xi32, #tpu.memory_space<vmem>>) attributes {dimension_semantics = [#tpu.dimension_semantics<parallel>, #tpu.dimension_semantics<parallel>], iteration_bounds = array<i64: 2, 8>, scalar_prefetch = 0 : i64, scratch_operands = 0 : i64, tpu.core_type = #tpu.core_type<tc>, window_params = [{transform_indices = @transform_0, window_bounds = array<i64: 1, 256, 3>}, {transform_indices = @transform_1, window_bounds = array<i64: 1, 3, 8192>}, {transform_indices = @transform_2, window_bounds = array<i64: 1, 256, 16>}]} {
    %get3A = arith.constant 0 : index
    %get3A_0 = arith.constant 0 : index
    %get3A_1 = arith.constant 0 : index
    %get3A_2 = vector.load %arg3[%get3A, %get3A_0, %get3A_1] : memref<1x3x8192xf32, #tpu.memory_space<vmem>>, vector<1x1x8192xf32>
    %get3A_3 = vector.shape_cast %get3A_2 : vector<1x1x8192xf32> to vector<8192xf32>
    %get3A_4 = arith.constant 0 : index
    %get3A_5 = arith.constant 1 : index
    %get3A_6 = arith.constant 0 : index
    %get3A_7 = vector.load %arg3[%get3A_4, %get3A_5, %get3A_6] : memref<1x3x8192xf32, #tpu.memory_space<vmem>>, vector<1x1x8192xf32>
    %get3A_8 = vector.shape_cast %get3A_7 : vector<1x1x8192xf32> to vector<8192xf32>
    %get3A_9 = arith.constant 0 : index
    %get3A_10 = arith.constant 2 : index
    %get3A_11 = arith.constant 0 : index
    %get3A_12 = vector.load %arg3[%get3A_9, %get3A_10, %get3A_11] : memref<1x3x8192xf32, #tpu.memory_space<vmem>>, vector<1x1x8192xf32>
    %get3A_13 = vector.shape_cast %get3A_12 : vector<1x1x8192xf32> to vector<8192xf32>
    %integer_pow3A = arith.mulf %get3A_3, %get3A_3 : vector<8192xf32>
    %integer_pow3A_14 = arith.mulf %get3A_8, %get3A_8 : vector<8192xf32>
    %add3A = arith.addf %integer_pow3A, %integer_pow3A_14 : vector<8192xf32>
    %integer_pow3A_15 = arith.mulf %get3A_13, %get3A_13 : vector<8192xf32>
    %add3A_16 = arith.addf %add3A, %integer_pow3A_15 : vector<8192xf32>
    %broadcast_in_dim3A = vector.shape_cast %add3A_16 : vector<8192xf32> to vector<1x8192xf32>
    %get3A_17 = arith.constant 0 : index
    %get3A_18 = arith.constant 0 : index
    %get3A_19 = arith.constant 0 : index
    %get3A_20 = vector.load %arg2[%get3A_17, %get3A_18, %get3A_19] : memref<1x256x3xf32, #tpu.memory_space<vmem>>, vector<1x256x3xf32>
    %get3A_21 = vector.shape_cast %get3A_20 : vector<1x256x3xf32> to vector<256x3xf32>
    %slice3A = vector.extract_strided_slice %get3A_21 {offsets = [0, 0], sizes = [256, 1], strides = [1, 1]} : vector<256x3xf32> to vector<256x1xf32>
    %squeeze3A = vector.shape_cast %slice3A : vector<256x1xf32> to vector<256xf32>
    %integer_pow3A_22 = arith.mulf %squeeze3A, %squeeze3A : vector<256xf32>
    %slice3A_23 = vector.extract_strided_slice %get3A_21 {offsets = [0, 1], sizes = [256, 1], strides = [1, 1]} : vector<256x3xf32> to vector<256x1xf32>
    %squeeze3A_24 = vector.shape_cast %slice3A_23 : vector<256x1xf32> to vector<256xf32>
    %integer_pow3A_25 = arith.mulf %squeeze3A_24, %squeeze3A_24 : vector<256xf32>
    %add3A_26 = arith.addf %integer_pow3A_22, %integer_pow3A_25 : vector<256xf32>
    %slice3A_27 = vector.extract_strided_slice %get3A_21 {offsets = [0, 2], sizes = [256, 1], strides = [1, 1]} : vector<256x3xf32> to vector<256x1xf32>
    %squeeze3A_28 = vector.shape_cast %slice3A_27 : vector<256x1xf32> to vector<256xf32>
    %integer_pow3A_29 = arith.mulf %squeeze3A_28, %squeeze3A_28 : vector<256xf32>
    %add3A_30 = arith.addf %add3A_26, %integer_pow3A_29 : vector<256xf32>
    %broadcast_in_dim3A_31 = vector.shape_cast %add3A_30 : vector<256xf32> to vector<256x1xf32>
    %convert_element_type3A = arith.truncf %get3A_21 : vector<256x3xf32> to vector<256x3xbf16>
    %get3A_32 = arith.constant 0 : index
    %get3A_33 = arith.constant 0 : index
    %get3A_34 = arith.constant 0 : index
    %get3A_35 = vector.load %arg3[%get3A_32, %get3A_33, %get3A_34] : memref<1x3x8192xf32, #tpu.memory_space<vmem>>, vector<1x3x8192xf32>
    %get3A_36 = vector.shape_cast %get3A_35 : vector<1x3x8192xf32> to vector<3x8192xf32>
    %convert_element_type3A_37 = arith.truncf %get3A_36 : vector<3x8192xf32> to vector<3x8192xbf16>
    %dot_general3A = arith.constant dense<0.000000e+00> : vector<256x8192xf32>
    %dot_general3A_38 = tpu.matmul %convert_element_type3A, %convert_element_type3A_37, %dot_general3A {dimension_numbers = #tpu.dot_dimension_numbers<[1], [0], [0], [1], [0, 0, 1, 1], [], []>, transpose_lhs_hint = false} : vector<256x3xbf16>, vector<3x8192xbf16>, vector<256x8192xf32> -> vector<256x8192xf32>
    %add3A_39 = vector.broadcast %broadcast_in_dim3A_31 : vector<256x1xf32> to vector<256x8192xf32>
    %add3A_40 = vector.broadcast %broadcast_in_dim3A : vector<1x8192xf32> to vector<256x8192xf32>
    %add3A_41 = arith.addf %add3A_39, %add3A_40 : vector<256x8192xf32>
    %mul3A = arith.constant 2.000000e+00 : f32
    %mul3A_42 = vector.broadcast %mul3A : f32 to vector<256x8192xf32>
    %mul3A_43 = arith.mulf %mul3A_42, %dot_general3A_38 : vector<256x8192xf32>
    %sub3A = arith.subf %add3A_41, %mul3A_43 : vector<256x8192xf32>
    %iota3A = tpu.iota {dimensions = array<i32: 1>} : vector<256x8192xi32>
    %mul3A_44 = arith.constant 8192 : i32
    %mul3A_45 = arith.muli %arg0, %mul3A_44 : i32
    %reduce_min3A = arith.constant dense<0x7F800000> : vector<256xf32>
    %reduce_min3A_46 = vector.multi_reduction <minimumf>, %sub3A, %reduce_min3A [1] : vector<256x8192xf32> to vector<256xf32>
    %broadcast_in_dim3A_47 = vector.shape_cast %reduce_min3A_46 : vector<256xf32> to vector<256x1xf32>
    %eq3A = vector.broadcast %broadcast_in_dim3A_47 : vector<256x1xf32> to vector<256x8192xf32>
    %eq3A_48 = arith.cmpf oeq, %sub3A, %eq3A : vector<256x8192xf32>
    %jit3A = arith.constant 8192 : i32
    %broadcast_in_dim3A_49 = vector.broadcast %jit3A : i32 to vector<256x8192xi32>
    %select_n3A = arith.select %eq3A_48, %iota3A, %broadcast_in_dim3A_49 : vector<256x8192xi1>, vector<256x8192xi32>
    %reduce_min3A_50 = arith.constant dense<2147483647> : vector<256xi32>
    %reduce_min3A_51 = vector.multi_reduction <minsi>, %select_n3A, %reduce_min3A_50 [1] : vector<256x8192xi32> to vector<256xi32>
    %broadcast_in_dim3A_52 = vector.shape_cast %reduce_min3A_51 : vector<256xi32> to vector<256x1xi32>
    %add3A_53 = vector.broadcast %mul3A_45 : i32 to vector<256x1xi32>
    %add3A_54 = arith.addi %broadcast_in_dim3A_52, %add3A_53 : vector<256x1xi32>
    %squeeze3A_55 = vector.shape_cast %add3A_54 : vector<256x1xi32> to vector<256xi32>
    %swap3A = arith.constant 0 : index
    %swap3A_56 = arith.constant 0 : index
    %swap3A_57 = arith.constant 0 : index
    %swap3A_58 = vector.load %arg4[%swap3A, %swap3A_56, %swap3A_57] : memref<1x256x16xi32, #tpu.memory_space<vmem>>, vector<1x256x1xi32>
    %swap3A_59 = vector.shape_cast %swap3A_58 : vector<1x256x1xi32> to vector<256xi32>
    %swap3A_60 = vector.shape_cast %squeeze3A_55 : vector<256xi32> to vector<1x256x1xi32>
    tpu.vector_store %arg4[%swap3A, %swap3A_56, %swap3A_57], %swap3A_60 {strides = array<i32>} : memref<1x256x16xi32, #tpu.memory_space<vmem>>, vector<1x256x1xi32>,
    %eq3A_61 = vector.broadcast %broadcast_in_dim3A_52 : vector<256x1xi32> to vector<256x8192xi32>
    %eq3A_62 = arith.cmpi eq, %iota3A, %eq3A_61 : vector<256x8192xi32>
    %jit3A_63 = arith.constant 0x7F800000 : f32
    %broadcast_in_dim3A_64 = vector.broadcast %jit3A_63 : f32 to vector<256x8192xf32>
    %select_n3A_65 = arith.select %eq3A_62, %broadcast_in_dim3A_64, %sub3A : vector<256x8192xi1>, vector<256x8192xf32>
    %reduce_min3A_66 = arith.constant dense<0x7F800000> : vector<256xf32>
    %reduce_min3A_67 = vector.multi_reduction <minimumf>, %select_n3A_65, %reduce_min3A_66 [1] : vector<256x8192xf32> to vector<256xf32>
    %broadcast_in_dim3A_68 = vector.shape_cast %reduce_min3A_67 : vector<256xf32> to vector<256x1xf32>
    %eq3A_69 = vector.broadcast %broadcast_in_dim3A_68 : vector<256x1xf32> to vector<256x8192xf32>
    %eq3A_70 = arith.cmpf oeq, %select_n3A_65, %eq3A_69 : vector<256x8192xf32>
    %jit3A_71 = arith.constant 8192 : i32
    %broadcast_in_dim3A_72 = vector.broadcast %jit3A_71 : i32 to vector<256x8192xi32>
    %select_n3A_73 = arith.select %eq3A_70, %iota3A, %broadcast_in_dim3A_72 : vector<256x8192xi1>, vector<256x8192xi32>
    %reduce_min3A_74 = arith.constant dense<2147483647> : vector<256xi32>
    %reduce_min3A_75 = vector.multi_reduction <minsi>, %select_n3A_73, %reduce_min3A_74 [1] : vector<256x8192xi32> to vector<256xi32>
    %broadcast_in_dim3A_76 = vector.shape_cast %reduce_min3A_75 : vector<256xi32> to vector<256x1xi32>
    %add3A_77 = vector.broadcast %mul3A_45 : i32 to vector<256x1xi32>
    %add3A_78 = arith.addi %broadcast_in_dim3A_76, %add3A_77 : vector<256x1xi32>
    %squeeze3A_79 = vector.shape_cast %add3A_78 : vector<256x1xi32> to vector<256xi32>
    %swap3A_80 = arith.constant 0 : index
    %swap3A_81 = arith.constant 0 : index
    %swap3A_82 = arith.constant 1 : index
    %swap3A_83 = vector.load %arg4[%swap3A_80, %swap3A_81, %swap3A_82] : memref<1x256x16xi32, #tpu.memory_space<vmem>>, vector<1x256x1xi32>
    %swap3A_84 = vector.shape_cast %swap3A_83 : vector<1x256x1xi32> to vector<256xi32>
    %swap3A_85 = vector.shape_cast %squeeze3A_79 : vector<256xi32> to vector<1x256x1xi32>
    tpu.vector_store %arg4[%swap3A_80, %swap3A_81, %swap3A_82], %swap3A_85 {strides = array<i32>} : memref<1x256x16xi32, #tpu.memory_space<vmem>>, vector<1x256x1xi32>,
    %eq3A_86 = vector.broadcast %broadcast_in_dim3A_76 : vector<256x1xi32> to vector<256x8192xi32>
    %eq3A_87 = arith.cmpi eq, %iota3A, %eq3A_86 : vector<256x8192xi32>
    %jit3A_88 = arith.constant 0x7F800000 : f32
    %broadcast_in_dim3A_89 = vector.broadcast %jit3A_88 : f32 to vector<256x8192xf32>
    %select_n3A_90 = arith.select %eq3A_87, %broadcast_in_dim3A_89, %select_n3A_65 : vector<256x8192xi1>, vector<256x8192xf32>
    %reduce_min3A_91 = arith.constant dense<0x7F800000> : vector<256xf32>
    %reduce_min3A_92 = vector.multi_reduction <minimumf>, %select_n3A_90, %reduce_min3A_91 [1] : vector<256x8192xf32> to vector<256xf32>
    %broadcast_in_dim3A_93 = vector.shape_cast %reduce_min3A_92 : vector<256xf32> to vector<256x1xf32>
    %eq3A_94 = vector.broadcast %broadcast_in_dim3A_93 : vector<256x1xf32> to vector<256x8192xf32>
    %eq3A_95 = arith.cmpf oeq, %select_n3A_90, %eq3A_94 : vector<256x8192xf32>
    %jit3A_96 = arith.constant 8192 : i32
    %broadcast_in_dim3A_97 = vector.broadcast %jit3A_96 : i32 to vector<256x8192xi32>
    %select_n3A_98 = arith.select %eq3A_95, %iota3A, %broadcast_in_dim3A_97 : vector<256x8192xi1>, vector<256x8192xi32>
    %reduce_min3A_99 = arith.constant dense<2147483647> : vector<256xi32>
    %reduce_min3A_100 = vector.multi_reduction <minsi>, %select_n3A_98, %reduce_min3A_99 [1] : vector<256x8192xi32> to vector<256xi32>
    %broadcast_in_dim3A_101 = vector.shape_cast %reduce_min3A_100 : vector<256xi32> to vector<256x1xi32>
    %add3A_102 = vector.broadcast %mul3A_45 : i32 to vector<256x1xi32>
    %add3A_103 = arith.addi %broadcast_in_dim3A_101, %add3A_102 : vector<256x1xi32>
    %squeeze3A_104 = vector.shape_cast %add3A_103 : vector<256x1xi32> to vector<256xi32>
    %swap3A_105 = arith.constant 0 : index
    %swap3A_106 = arith.constant 0 : index
    %swap3A_107 = arith.constant 2 : index
    %swap3A_108 = vector.load %arg4[%swap3A_105, %swap3A_106, %swap3A_107] : memref<1x256x16xi32, #tpu.memory_space<vmem>>, vector<1x256x1xi32>
    %swap3A_109 = vector.shape_cast %swap3A_108 : vector<1x256x1xi32> to vector<256xi32>
    %swap3A_110 = vector.shape_cast %squeeze3A_104 : vector<256xi32> to vector<1x256x1xi32>
    tpu.vector_store %arg4[%swap3A_105, %swap3A_106, %swap3A_107], %swap3A_110 {strides = array<i32>} : memref<1x256x16xi32, #tpu.memory_space<vmem>>, vector<1x256x1xi32>,
    %eq3A_111 = vector.broadcast %broadcast_in_dim3A_101 : vector<256x1xi32> to vector<256x8192xi32>
    %eq3A_112 = arith.cmpi eq, %iota3A, %eq3A_111 : vector<256x8192xi32>
    %jit3A_113 = arith.constant 0x7F800000 : f32
    %broadcast_in_dim3A_114 = vector.broadcast %jit3A_113 : f32 to vector<256x8192xf32>
    %select_n3A_115 = arith.select %eq3A_112, %broadcast_in_dim3A_114, %select_n3A_90 : vector<256x8192xi1>, vector<256x8192xf32>
    %reduce_min3A_116 = arith.constant dense<0x7F800000> : vector<256xf32>
    %reduce_min3A_117 = vector.multi_reduction <minimumf>, %select_n3A_115, %reduce_min3A_116 [1] : vector<256x8192xf32> to vector<256xf32>
    %broadcast_in_dim3A_118 = vector.shape_cast %reduce_min3A_117 : vector<256xf32> to vector<256x1xf32>
    %eq3A_119 = vector.broadcast %broadcast_in_dim3A_118 : vector<256x1xf32> to vector<256x8192xf32>
    %eq3A_120 = arith.cmpf oeq, %select_n3A_115, %eq3A_119 : vector<256x8192xf32>
    %jit3A_121 = arith.constant 8192 : i32
    %broadcast_in_dim3A_122 = vector.broadcast %jit3A_121 : i32 to vector<256x8192xi32>
    %select_n3A_123 = arith.select %eq3A_120, %iota3A, %broadcast_in_dim3A_122 : vector<256x8192xi1>, vector<256x8192xi32>
    %reduce_min3A_124 = arith.constant dense<2147483647> : vector<256xi32>
    %reduce_min3A_125 = vector.multi_reduction <minsi>, %select_n3A_123, %reduce_min3A_124 [1] : vector<256x8192xi32> to vector<256xi32>
    %broadcast_in_dim3A_126 = vector.shape_cast %reduce_min3A_125 : vector<256xi32> to vector<256x1xi32>
    %add3A_127 = vector.broadcast %mul3A_45 : i32 to vector<256x1xi32>
    %add3A_128 = arith.addi %broadcast_in_dim3A_126, %add3A_127 : vector<256x1xi32>
    %squeeze3A_129 = vector.shape_cast %add3A_128 : vector<256x1xi32> to vector<256xi32>
    %swap3A_130 = arith.constant 0 : index
    %swap3A_131 = arith.constant 0 : index
    %swap3A_132 = arith.constant 3 : index
    %swap3A_133 = vector.load %arg4[%swap3A_130, %swap3A_131, %swap3A_132] : memref<1x256x16xi32, #tpu.memory_space<vmem>>, vector<1x256x1xi32>
    %swap3A_134 = vector.shape_cast %swap3A_133 : vector<1x256x1xi32> to vector<256xi32>
    %swap3A_135 = vector.shape_cast %squeeze3A_129 : vector<256xi32> to vector<1x256x1xi32>
    tpu.vector_store %arg4[%swap3A_130, %swap3A_131, %swap3A_132], %swap3A_135 {strides = array<i32>} : memref<1x256x16xi32, #tpu.memory_space<vmem>>, vector<1x256x1xi32>,
    %eq3A_136 = vector.broadcast %broadcast_in_dim3A_126 : vector<256x1xi32> to vector<256x8192xi32>
    %eq3A_137 = arith.cmpi eq, %iota3A, %eq3A_136 : vector<256x8192xi32>
    %jit3A_138 = arith.constant 0x7F800000 : f32
    %broadcast_in_dim3A_139 = vector.broadcast %jit3A_138 : f32 to vector<256x8192xf32>
    %select_n3A_140 = arith.select %eq3A_137, %broadcast_in_dim3A_139, %select_n3A_115 : vector<256x8192xi1>, vector<256x8192xf32>
    %reduce_min3A_141 = arith.constant dense<0x7F800000> : vector<256xf32>
    %reduce_min3A_142 = vector.multi_reduction <minimumf>, %select_n3A_140, %reduce_min3A_141 [1] : vector<256x8192xf32> to vector<256xf32>
    %broadcast_in_dim3A_143 = vector.shape_cast %reduce_min3A_142 : vector<256xf32> to vector<256x1xf32>
    %eq3A_144 = vector.broadcast %broadcast_in_dim3A_143 : vector<256x1xf32> to vector<256x8192xf32>
    %eq3A_145 = arith.cmpf oeq, %select_n3A_140, %eq3A_144 : vector<256x8192xf32>
    %jit3A_146 = arith.constant 8192 : i32
    %broadcast_in_dim3A_147 = vector.broadcast %jit3A_146 : i32 to vector<256x8192xi32>
    %select_n3A_148 = arith.select %eq3A_145, %iota3A, %broadcast_in_dim3A_147 : vector<256x8192xi1>, vector<256x8192xi32>
    %reduce_min3A_149 = arith.constant dense<2147483647> : vector<256xi32>
    %reduce_min3A_150 = vector.multi_reduction <minsi>, %select_n3A_148, %reduce_min3A_149 [1] : vector<256x8192xi32> to vector<256xi32>
    %broadcast_in_dim3A_151 = vector.shape_cast %reduce_min3A_150 : vector<256xi32> to vector<256x1xi32>
    %add3A_152 = vector.broadcast %mul3A_45 : i32 to vector<256x1xi32>
    %add3A_153 = arith.addi %broadcast_in_dim3A_151, %add3A_152 : vector<256x1xi32>
    %squeeze3A_154 = vector.shape_cast %add3A_153 : vector<256x1xi32> to vector<256xi32>
    %swap3A_155 = arith.constant 0 : index
    %swap3A_156 = arith.constant 0 : index
    %swap3A_157 = arith.constant 4 : index
    %swap3A_158 = vector.load %arg4[%swap3A_155, %swap3A_156, %swap3A_157] : memref<1x256x16xi32, #tpu.memory_space<vmem>>, vector<1x256x1xi32>
    %swap3A_159 = vector.shape_cast %swap3A_158 : vector<1x256x1xi32> to vector<256xi32>
    %swap3A_160 = vector.shape_cast %squeeze3A_154 : vector<256xi32> to vector<1x256x1xi32>
    tpu.vector_store %arg4[%swap3A_155, %swap3A_156, %swap3A_157], %swap3A_160 {strides = array<i32>} : memref<1x256x16xi32, #tpu.memory_space<vmem>>, vector<1x256x1xi32>,
    %eq3A_161 = vector.broadcast %broadcast_in_dim3A_151 : vector<256x1xi32> to vector<256x8192xi32>
    %eq3A_162 = arith.cmpi eq, %iota3A, %eq3A_161 : vector<256x8192xi32>
    %jit3A_163 = arith.constant 0x7F800000 : f32
    %broadcast_in_dim3A_164 = vector.broadcast %jit3A_163 : f32 to vector<256x8192xf32>
    %select_n3A_165 = arith.select %eq3A_162, %broadcast_in_dim3A_164, %select_n3A_140 : vector<256x8192xi1>, vector<256x8192xf32>
    %reduce_min3A_166 = arith.constant dense<0x7F800000> : vector<256xf32>
    %reduce_min3A_167 = vector.multi_reduction <minimumf>, %select_n3A_165, %reduce_min3A_166 [1] : vector<256x8192xf32> to vector<256xf32>
    %broadcast_in_dim3A_168 = vector.shape_cast %reduce_min3A_167 : vector<256xf32> to vector<256x1xf32>
    %eq3A_169 = vector.broadcast %broadcast_in_dim3A_168 : vector<256x1xf32> to vector<256x8192xf32>
    %eq3A_170 = arith.cmpf oeq, %select_n3A_165, %eq3A_169 : vector<256x8192xf32>
    %jit3A_171 = arith.constant 8192 : i32
    %broadcast_in_dim3A_172 = vector.broadcast %jit3A_171 : i32 to vector<256x8192xi32>
    %select_n3A_173 = arith.select %eq3A_170, %iota3A, %broadcast_in_dim3A_172 : vector<256x8192xi1>, vector<256x8192xi32>
    %reduce_min3A_174 = arith.constant dense<2147483647> : vector<256xi32>
    %reduce_min3A_175 = vector.multi_reduction <minsi>, %select_n3A_173, %reduce_min3A_174 [1] : vector<256x8192xi32> to vector<256xi32>
    %broadcast_in_dim3A_176 = vector.shape_cast %reduce_min3A_175 : vector<256xi32> to vector<256x1xi32>
    %add3A_177 = vector.broadcast %mul3A_45 : i32 to vector<256x1xi32>
    %add3A_178 = arith.addi %broadcast_in_dim3A_176, %add3A_177 : vector<256x1xi32>
    %squeeze3A_179 = vector.shape_cast %add3A_178 : vector<256x1xi32> to vector<256xi32>
    %swap3A_180 = arith.constant 0 : index
    %swap3A_181 = arith.constant 0 : index
    %swap3A_182 = arith.constant 5 : index
    %swap3A_183 = vector.load %arg4[%swap3A_180, %swap3A_181, %swap3A_182] : memref<1x256x16xi32, #tpu.memory_space<vmem>>, vector<1x256x1xi32>
    %swap3A_184 = vector.shape_cast %swap3A_183 : vector<1x256x1xi32> to vector<256xi32>
    %swap3A_185 = vector.shape_cast %squeeze3A_179 : vector<256xi32> to vector<1x256x1xi32>
    tpu.vector_store %arg4[%swap3A_180, %swap3A_181, %swap3A_182], %swap3A_185 {strides = array<i32>} : memref<1x256x16xi32, #tpu.memory_space<vmem>>, vector<1x256x1xi32>,
    %eq3A_186 = vector.broadcast %broadcast_in_dim3A_176 : vector<256x1xi32> to vector<256x8192xi32>
    %eq3A_187 = arith.cmpi eq, %iota3A, %eq3A_186 : vector<256x8192xi32>
    %jit3A_188 = arith.constant 0x7F800000 : f32
    %broadcast_in_dim3A_189 = vector.broadcast %jit3A_188 : f32 to vector<256x8192xf32>
    %select_n3A_190 = arith.select %eq3A_187, %broadcast_in_dim3A_189, %select_n3A_165 : vector<256x8192xi1>, vector<256x8192xf32>
    %reduce_min3A_191 = arith.constant dense<0x7F800000> : vector<256xf32>
    %reduce_min3A_192 = vector.multi_reduction <minimumf>, %select_n3A_190, %reduce_min3A_191 [1] : vector<256x8192xf32> to vector<256xf32>
    %broadcast_in_dim3A_193 = vector.shape_cast %reduce_min3A_192 : vector<256xf32> to vector<256x1xf32>
    %eq3A_194 = vector.broadcast %broadcast_in_dim3A_193 : vector<256x1xf32> to vector<256x8192xf32>
    %eq3A_195 = arith.cmpf oeq, %select_n3A_190, %eq3A_194 : vector<256x8192xf32>
    %jit3A_196 = arith.constant 8192 : i32
    %broadcast_in_dim3A_197 = vector.broadcast %jit3A_196 : i32 to vector<256x8192xi32>
    %select_n3A_198 = arith.select %eq3A_195, %iota3A, %broadcast_in_dim3A_197 : vector<256x8192xi1>, vector<256x8192xi32>
    %reduce_min3A_199 = arith.constant dense<2147483647> : vector<256xi32>
    %reduce_min3A_200 = vector.multi_reduction <minsi>, %select_n3A_198, %reduce_min3A_199 [1] : vector<256x8192xi32> to vector<256xi32>
    %broadcast_in_dim3A_201 = vector.shape_cast %reduce_min3A_200 : vector<256xi32> to vector<256x1xi32>
    %add3A_202 = vector.broadcast %mul3A_45 : i32 to vector<256x1xi32>
    %add3A_203 = arith.addi %broadcast_in_dim3A_201, %add3A_202 : vector<256x1xi32>
    %squeeze3A_204 = vector.shape_cast %add3A_203 : vector<256x1xi32> to vector<256xi32>
    %swap3A_205 = arith.constant 0 : index
    %swap3A_206 = arith.constant 0 : index
    %swap3A_207 = arith.constant 6 : index
    %swap3A_208 = vector.load %arg4[%swap3A_205, %swap3A_206, %swap3A_207] : memref<1x256x16xi32, #tpu.memory_space<vmem>>, vector<1x256x1xi32>
    %swap3A_209 = vector.shape_cast %swap3A_208 : vector<1x256x1xi32> to vector<256xi32>
    %swap3A_210 = vector.shape_cast %squeeze3A_204 : vector<256xi32> to vector<1x256x1xi32>
    tpu.vector_store %arg4[%swap3A_205, %swap3A_206, %swap3A_207], %swap3A_210 {strides = array<i32>} : memref<1x256x16xi32, #tpu.memory_space<vmem>>, vector<1x256x1xi32>,
    %eq3A_211 = vector.broadcast %broadcast_in_dim3A_201 : vector<256x1xi32> to vector<256x8192xi32>
    %eq3A_212 = arith.cmpi eq, %iota3A, %eq3A_211 : vector<256x8192xi32>
    %jit3A_213 = arith.constant 0x7F800000 : f32
    %broadcast_in_dim3A_214 = vector.broadcast %jit3A_213 : f32 to vector<256x8192xf32>
    %select_n3A_215 = arith.select %eq3A_212, %broadcast_in_dim3A_214, %select_n3A_190 : vector<256x8192xi1>, vector<256x8192xf32>
    %reduce_min3A_216 = arith.constant dense<0x7F800000> : vector<256xf32>
    %reduce_min3A_217 = vector.multi_reduction <minimumf>, %select_n3A_215, %reduce_min3A_216 [1] : vector<256x8192xf32> to vector<256xf32>
    %broadcast_in_dim3A_218 = vector.shape_cast %reduce_min3A_217 : vector<256xf32> to vector<256x1xf32>
    %eq3A_219 = vector.broadcast %broadcast_in_dim3A_218 : vector<256x1xf32> to vector<256x8192xf32>
    %eq3A_220 = arith.cmpf oeq, %select_n3A_215, %eq3A_219 : vector<256x8192xf32>
    %jit3A_221 = arith.constant 8192 : i32
    %broadcast_in_dim3A_222 = vector.broadcast %jit3A_221 : i32 to vector<256x8192xi32>
    %select_n3A_223 = arith.select %eq3A_220, %iota3A, %broadcast_in_dim3A_222 : vector<256x8192xi1>, vector<256x8192xi32>
    %reduce_min3A_224 = arith.constant dense<2147483647> : vector<256xi32>
    %reduce_min3A_225 = vector.multi_reduction <minsi>, %select_n3A_223, %reduce_min3A_224 [1] : vector<256x8192xi32> to vector<256xi32>
    %broadcast_in_dim3A_226 = vector.shape_cast %reduce_min3A_225 : vector<256xi32> to vector<256x1xi32>
    %add3A_227 = vector.broadcast %mul3A_45 : i32 to vector<256x1xi32>
    %add3A_228 = arith.addi %broadcast_in_dim3A_226, %add3A_227 : vector<256x1xi32>
    %squeeze3A_229 = vector.shape_cast %add3A_228 : vector<256x1xi32> to vector<256xi32>
    %swap3A_230 = arith.constant 0 : index
    %swap3A_231 = arith.constant 0 : index
    %swap3A_232 = arith.constant 7 : index
    %swap3A_233 = vector.load %arg4[%swap3A_230, %swap3A_231, %swap3A_232] : memref<1x256x16xi32, #tpu.memory_space<vmem>>, vector<1x256x1xi32>
    %swap3A_234 = vector.shape_cast %swap3A_233 : vector<1x256x1xi32> to vector<256xi32>
    %swap3A_235 = vector.shape_cast %squeeze3A_229 : vector<256xi32> to vector<1x256x1xi32>
    tpu.vector_store %arg4[%swap3A_230, %swap3A_231, %swap3A_232], %swap3A_235 {strides = array<i32>} : memref<1x256x16xi32, #tpu.memory_space<vmem>>, vector<1x256x1xi32>,
    %eq3A_236 = vector.broadcast %broadcast_in_dim3A_226 : vector<256x1xi32> to vector<256x8192xi32>
    %eq3A_237 = arith.cmpi eq, %iota3A, %eq3A_236 : vector<256x8192xi32>
    %jit3A_238 = arith.constant 0x7F800000 : f32
    %broadcast_in_dim3A_239 = vector.broadcast %jit3A_238 : f32 to vector<256x8192xf32>
    %select_n3A_240 = arith.select %eq3A_237, %broadcast_in_dim3A_239, %select_n3A_215 : vector<256x8192xi1>, vector<256x8192xf32>
    %reduce_min3A_241 = arith.constant dense<0x7F800000> : vector<256xf32>
    %reduce_min3A_242 = vector.multi_reduction <minimumf>, %select_n3A_240, %reduce_min3A_241 [1] : vector<256x8192xf32> to vector<256xf32>
    %broadcast_in_dim3A_243 = vector.shape_cast %reduce_min3A_242 : vector<256xf32> to vector<256x1xf32>
    %eq3A_244 = vector.broadcast %broadcast_in_dim3A_243 : vector<256x1xf32> to vector<256x8192xf32>
    %eq3A_245 = arith.cmpf oeq, %select_n3A_240, %eq3A_244 : vector<256x8192xf32>
    %jit3A_246 = arith.constant 8192 : i32
    %broadcast_in_dim3A_247 = vector.broadcast %jit3A_246 : i32 to vector<256x8192xi32>
    %select_n3A_248 = arith.select %eq3A_245, %iota3A, %broadcast_in_dim3A_247 : vector<256x8192xi1>, vector<256x8192xi32>
    %reduce_min3A_249 = arith.constant dense<2147483647> : vector<256xi32>
    %reduce_min3A_250 = vector.multi_reduction <minsi>, %select_n3A_248, %reduce_min3A_249 [1] : vector<256x8192xi32> to vector<256xi32>
    %broadcast_in_dim3A_251 = vector.shape_cast %reduce_min3A_250 : vector<256xi32> to vector<256x1xi32>
    %add3A_252 = vector.broadcast %mul3A_45 : i32 to vector<256x1xi32>
    %add3A_253 = arith.addi %broadcast_in_dim3A_251, %add3A_252 : vector<256x1xi32>
    %squeeze3A_254 = vector.shape_cast %add3A_253 : vector<256x1xi32> to vector<256xi32>
    %swap3A_255 = arith.constant 0 : index
    %swap3A_256 = arith.constant 0 : index
    %swap3A_257 = arith.constant 8 : index
    %swap3A_258 = vector.load %arg4[%swap3A_255, %swap3A_256, %swap3A_257] : memref<1x256x16xi32, #tpu.memory_space<vmem>>, vector<1x256x1xi32>
    %swap3A_259 = vector.shape_cast %swap3A_258 : vector<1x256x1xi32> to vector<256xi32>
    %swap3A_260 = vector.shape_cast %squeeze3A_254 : vector<256xi32> to vector<1x256x1xi32>
    tpu.vector_store %arg4[%swap3A_255, %swap3A_256, %swap3A_257], %swap3A_260 {strides = array<i32>} : memref<1x256x16xi32, #tpu.memory_space<vmem>>, vector<1x256x1xi32>,
    %eq3A_261 = vector.broadcast %broadcast_in_dim3A_251 : vector<256x1xi32> to vector<256x8192xi32>
    %eq3A_262 = arith.cmpi eq, %iota3A, %eq3A_261 : vector<256x8192xi32>
    %jit3A_263 = arith.constant 0x7F800000 : f32
    %broadcast_in_dim3A_264 = vector.broadcast %jit3A_263 : f32 to vector<256x8192xf32>
    %select_n3A_265 = arith.select %eq3A_262, %broadcast_in_dim3A_264, %select_n3A_240 : vector<256x8192xi1>, vector<256x8192xf32>
    %reduce_min3A_266 = arith.constant dense<0x7F800000> : vector<256xf32>
    %reduce_min3A_267 = vector.multi_reduction <minimumf>, %select_n3A_265, %reduce_min3A_266 [1] : vector<256x8192xf32> to vector<256xf32>
    %broadcast_in_dim3A_268 = vector.shape_cast %reduce_min3A_267 : vector<256xf32> to vector<256x1xf32>
    %eq3A_269 = vector.broadcast %broadcast_in_dim3A_268 : vector<256x1xf32> to vector<256x8192xf32>
    %eq3A_270 = arith.cmpf oeq, %select_n3A_265, %eq3A_269 : vector<256x8192xf32>
    %jit3A_271 = arith.constant 8192 : i32
    %broadcast_in_dim3A_272 = vector.broadcast %jit3A_271 : i32 to vector<256x8192xi32>
    %select_n3A_273 = arith.select %eq3A_270, %iota3A, %broadcast_in_dim3A_272 : vector<256x8192xi1>, vector<256x8192xi32>
    %reduce_min3A_274 = arith.constant dense<2147483647> : vector<256xi32>
    %reduce_min3A_275 = vector.multi_reduction <minsi>, %select_n3A_273, %reduce_min3A_274 [1] : vector<256x8192xi32> to vector<256xi32>
    %broadcast_in_dim3A_276 = vector.shape_cast %reduce_min3A_275 : vector<256xi32> to vector<256x1xi32>
    %add3A_277 = vector.broadcast %mul3A_45 : i32 to vector<256x1xi32>
    %add3A_278 = arith.addi %broadcast_in_dim3A_276, %add3A_277 : vector<256x1xi32>
    %squeeze3A_279 = vector.shape_cast %add3A_278 : vector<256x1xi32> to vector<256xi32>
    %swap3A_280 = arith.constant 0 : index
    %swap3A_281 = arith.constant 0 : index
    %swap3A_282 = arith.constant 9 : index
    %swap3A_283 = vector.load %arg4[%swap3A_280, %swap3A_281, %swap3A_282] : memref<1x256x16xi32, #tpu.memory_space<vmem>>, vector<1x256x1xi32>
    %swap3A_284 = vector.shape_cast %swap3A_283 : vector<1x256x1xi32> to vector<256xi32>
    %swap3A_285 = vector.shape_cast %squeeze3A_279 : vector<256xi32> to vector<1x256x1xi32>
    tpu.vector_store %arg4[%swap3A_280, %swap3A_281, %swap3A_282], %swap3A_285 {strides = array<i32>} : memref<1x256x16xi32, #tpu.memory_space<vmem>>, vector<1x256x1xi32>,
    %eq3A_286 = vector.broadcast %broadcast_in_dim3A_276 : vector<256x1xi32> to vector<256x8192xi32>
    %eq3A_287 = arith.cmpi eq, %iota3A, %eq3A_286 : vector<256x8192xi32>
    %jit3A_288 = arith.constant 0x7F800000 : f32
    %broadcast_in_dim3A_289 = vector.broadcast %jit3A_288 : f32 to vector<256x8192xf32>
    %select_n3A_290 = arith.select %eq3A_287, %broadcast_in_dim3A_289, %select_n3A_265 : vector<256x8192xi1>, vector<256x8192xf32>
    %reduce_min3A_291 = arith.constant dense<0x7F800000> : vector<256xf32>
    %reduce_min3A_292 = vector.multi_reduction <minimumf>, %select_n3A_290, %reduce_min3A_291 [1] : vector<256x8192xf32> to vector<256xf32>
    %broadcast_in_dim3A_293 = vector.shape_cast %reduce_min3A_292 : vector<256xf32> to vector<256x1xf32>
    %eq3A_294 = vector.broadcast %broadcast_in_dim3A_293 : vector<256x1xf32> to vector<256x8192xf32>
    %eq3A_295 = arith.cmpf oeq, %select_n3A_290, %eq3A_294 : vector<256x8192xf32>
    %jit3A_296 = arith.constant 8192 : i32
    %broadcast_in_dim3A_297 = vector.broadcast %jit3A_296 : i32 to vector<256x8192xi32>
    %select_n3A_298 = arith.select %eq3A_295, %iota3A, %broadcast_in_dim3A_297 : vector<256x8192xi1>, vector<256x8192xi32>
    %reduce_min3A_299 = arith.constant dense<2147483647> : vector<256xi32>
    %reduce_min3A_300 = vector.multi_reduction <minsi>, %select_n3A_298, %reduce_min3A_299 [1] : vector<256x8192xi32> to vector<256xi32>
    %broadcast_in_dim3A_301 = vector.shape_cast %reduce_min3A_300 : vector<256xi32> to vector<256x1xi32>
    %add3A_302 = vector.broadcast %mul3A_45 : i32 to vector<256x1xi32>
    %add3A_303 = arith.addi %broadcast_in_dim3A_301, %add3A_302 : vector<256x1xi32>
    %squeeze3A_304 = vector.shape_cast %add3A_303 : vector<256x1xi32> to vector<256xi32>
    %swap3A_305 = arith.constant 0 : index
    %swap3A_306 = arith.constant 0 : index
    %swap3A_307 = arith.constant 10 : index
    %swap3A_308 = vector.load %arg4[%swap3A_305, %swap3A_306, %swap3A_307] : memref<1x256x16xi32, #tpu.memory_space<vmem>>, vector<1x256x1xi32>
    %swap3A_309 = vector.shape_cast %swap3A_308 : vector<1x256x1xi32> to vector<256xi32>
    %swap3A_310 = vector.shape_cast %squeeze3A_304 : vector<256xi32> to vector<1x256x1xi32>
    tpu.vector_store %arg4[%swap3A_305, %swap3A_306, %swap3A_307], %swap3A_310 {strides = array<i32>} : memref<1x256x16xi32, #tpu.memory_space<vmem>>, vector<1x256x1xi32>,
    %eq3A_311 = vector.broadcast %broadcast_in_dim3A_301 : vector<256x1xi32> to vector<256x8192xi32>
    %eq3A_312 = arith.cmpi eq, %iota3A, %eq3A_311 : vector<256x8192xi32>
    %jit3A_313 = arith.constant 0x7F800000 : f32
    %broadcast_in_dim3A_314 = vector.broadcast %jit3A_313 : f32 to vector<256x8192xf32>
    %select_n3A_315 = arith.select %eq3A_312, %broadcast_in_dim3A_314, %select_n3A_290 : vector<256x8192xi1>, vector<256x8192xf32>
    %reduce_min3A_316 = arith.constant dense<0x7F800000> : vector<256xf32>
    %reduce_min3A_317 = vector.multi_reduction <minimumf>, %select_n3A_315, %reduce_min3A_316 [1] : vector<256x8192xf32> to vector<256xf32>
    %broadcast_in_dim3A_318 = vector.shape_cast %reduce_min3A_317 : vector<256xf32> to vector<256x1xf32>
    %eq3A_319 = vector.broadcast %broadcast_in_dim3A_318 : vector<256x1xf32> to vector<256x8192xf32>
    %eq3A_320 = arith.cmpf oeq, %select_n3A_315, %eq3A_319 : vector<256x8192xf32>
    %jit3A_321 = arith.constant 8192 : i32
    %broadcast_in_dim3A_322 = vector.broadcast %jit3A_321 : i32 to vector<256x8192xi32>
    %select_n3A_323 = arith.select %eq3A_320, %iota3A, %broadcast_in_dim3A_322 : vector<256x8192xi1>, vector<256x8192xi32>
    %reduce_min3A_324 = arith.constant dense<2147483647> : vector<256xi32>
    %reduce_min3A_325 = vector.multi_reduction <minsi>, %select_n3A_323, %reduce_min3A_324 [1] : vector<256x8192xi32> to vector<256xi32>
    %broadcast_in_dim3A_326 = vector.shape_cast %reduce_min3A_325 : vector<256xi32> to vector<256x1xi32>
    %add3A_327 = vector.broadcast %mul3A_45 : i32 to vector<256x1xi32>
    %add3A_328 = arith.addi %broadcast_in_dim3A_326, %add3A_327 : vector<256x1xi32>
    %squeeze3A_329 = vector.shape_cast %add3A_328 : vector<256x1xi32> to vector<256xi32>
    %swap3A_330 = arith.constant 0 : index
    %swap3A_331 = arith.constant 0 : index
    %swap3A_332 = arith.constant 11 : index
    %swap3A_333 = vector.load %arg4[%swap3A_330, %swap3A_331, %swap3A_332] : memref<1x256x16xi32, #tpu.memory_space<vmem>>, vector<1x256x1xi32>
    %swap3A_334 = vector.shape_cast %swap3A_333 : vector<1x256x1xi32> to vector<256xi32>
    %swap3A_335 = vector.shape_cast %squeeze3A_329 : vector<256xi32> to vector<1x256x1xi32>
    tpu.vector_store %arg4[%swap3A_330, %swap3A_331, %swap3A_332], %swap3A_335 {strides = array<i32>} : memref<1x256x16xi32, #tpu.memory_space<vmem>>, vector<1x256x1xi32>,
    %eq3A_336 = vector.broadcast %broadcast_in_dim3A_326 : vector<256x1xi32> to vector<256x8192xi32>
    %eq3A_337 = arith.cmpi eq, %iota3A, %eq3A_336 : vector<256x8192xi32>
    %jit3A_338 = arith.constant 0x7F800000 : f32
    %broadcast_in_dim3A_339 = vector.broadcast %jit3A_338 : f32 to vector<256x8192xf32>
    %select_n3A_340 = arith.select %eq3A_337, %broadcast_in_dim3A_339, %select_n3A_315 : vector<256x8192xi1>, vector<256x8192xf32>
    %reduce_min3A_341 = arith.constant dense<0x7F800000> : vector<256xf32>
    %reduce_min3A_342 = vector.multi_reduction <minimumf>, %select_n3A_340, %reduce_min3A_341 [1] : vector<256x8192xf32> to vector<256xf32>
    %broadcast_in_dim3A_343 = vector.shape_cast %reduce_min3A_342 : vector<256xf32> to vector<256x1xf32>
    %eq3A_344 = vector.broadcast %broadcast_in_dim3A_343 : vector<256x1xf32> to vector<256x8192xf32>
    %eq3A_345 = arith.cmpf oeq, %select_n3A_340, %eq3A_344 : vector<256x8192xf32>
    %jit3A_346 = arith.constant 8192 : i32
    %broadcast_in_dim3A_347 = vector.broadcast %jit3A_346 : i32 to vector<256x8192xi32>
    %select_n3A_348 = arith.select %eq3A_345, %iota3A, %broadcast_in_dim3A_347 : vector<256x8192xi1>, vector<256x8192xi32>
    %reduce_min3A_349 = arith.constant dense<2147483647> : vector<256xi32>
    %reduce_min3A_350 = vector.multi_reduction <minsi>, %select_n3A_348, %reduce_min3A_349 [1] : vector<256x8192xi32> to vector<256xi32>
    %broadcast_in_dim3A_351 = vector.shape_cast %reduce_min3A_350 : vector<256xi32> to vector<256x1xi32>
    %add3A_352 = vector.broadcast %mul3A_45 : i32 to vector<256x1xi32>
    %add3A_353 = arith.addi %broadcast_in_dim3A_351, %add3A_352 : vector<256x1xi32>
    %squeeze3A_354 = vector.shape_cast %add3A_353 : vector<256x1xi32> to vector<256xi32>
    %swap3A_355 = arith.constant 0 : index
    %swap3A_356 = arith.constant 0 : index
    %swap3A_357 = arith.constant 12 : index
    %swap3A_358 = vector.load %arg4[%swap3A_355, %swap3A_356, %swap3A_357] : memref<1x256x16xi32, #tpu.memory_space<vmem>>, vector<1x256x1xi32>
    %swap3A_359 = vector.shape_cast %swap3A_358 : vector<1x256x1xi32> to vector<256xi32>
    %swap3A_360 = vector.shape_cast %squeeze3A_354 : vector<256xi32> to vector<1x256x1xi32>
    tpu.vector_store %arg4[%swap3A_355, %swap3A_356, %swap3A_357], %swap3A_360 {strides = array<i32>} : memref<1x256x16xi32, #tpu.memory_space<vmem>>, vector<1x256x1xi32>,
    %eq3A_361 = vector.broadcast %broadcast_in_dim3A_351 : vector<256x1xi32> to vector<256x8192xi32>
    %eq3A_362 = arith.cmpi eq, %iota3A, %eq3A_361 : vector<256x8192xi32>
    %jit3A_363 = arith.constant 0x7F800000 : f32
    %broadcast_in_dim3A_364 = vector.broadcast %jit3A_363 : f32 to vector<256x8192xf32>
    %select_n3A_365 = arith.select %eq3A_362, %broadcast_in_dim3A_364, %select_n3A_340 : vector<256x8192xi1>, vector<256x8192xf32>
    %reduce_min3A_366 = arith.constant dense<0x7F800000> : vector<256xf32>
    %reduce_min3A_367 = vector.multi_reduction <minimumf>, %select_n3A_365, %reduce_min3A_366 [1] : vector<256x8192xf32> to vector<256xf32>
    %broadcast_in_dim3A_368 = vector.shape_cast %reduce_min3A_367 : vector<256xf32> to vector<256x1xf32>
    %eq3A_369 = vector.broadcast %broadcast_in_dim3A_368 : vector<256x1xf32> to vector<256x8192xf32>
    %eq3A_370 = arith.cmpf oeq, %select_n3A_365, %eq3A_369 : vector<256x8192xf32>
    %jit3A_371 = arith.constant 8192 : i32
    %broadcast_in_dim3A_372 = vector.broadcast %jit3A_371 : i32 to vector<256x8192xi32>
    %select_n3A_373 = arith.select %eq3A_370, %iota3A, %broadcast_in_dim3A_372 : vector<256x8192xi1>, vector<256x8192xi32>
    %reduce_min3A_374 = arith.constant dense<2147483647> : vector<256xi32>
    %reduce_min3A_375 = vector.multi_reduction <minsi>, %select_n3A_373, %reduce_min3A_374 [1] : vector<256x8192xi32> to vector<256xi32>
    %broadcast_in_dim3A_376 = vector.shape_cast %reduce_min3A_375 : vector<256xi32> to vector<256x1xi32>
    %add3A_377 = vector.broadcast %mul3A_45 : i32 to vector<256x1xi32>
    %add3A_378 = arith.addi %broadcast_in_dim3A_376, %add3A_377 : vector<256x1xi32>
    %squeeze3A_379 = vector.shape_cast %add3A_378 : vector<256x1xi32> to vector<256xi32>
    %swap3A_380 = arith.constant 0 : index
    %swap3A_381 = arith.constant 0 : index
    %swap3A_382 = arith.constant 13 : index
    %swap3A_383 = vector.load %arg4[%swap3A_380, %swap3A_381, %swap3A_382] : memref<1x256x16xi32, #tpu.memory_space<vmem>>, vector<1x256x1xi32>
    %swap3A_384 = vector.shape_cast %swap3A_383 : vector<1x256x1xi32> to vector<256xi32>
    %swap3A_385 = vector.shape_cast %squeeze3A_379 : vector<256xi32> to vector<1x256x1xi32>
    tpu.vector_store %arg4[%swap3A_380, %swap3A_381, %swap3A_382], %swap3A_385 {strides = array<i32>} : memref<1x256x16xi32, #tpu.memory_space<vmem>>, vector<1x256x1xi32>,
    %eq3A_386 = vector.broadcast %broadcast_in_dim3A_376 : vector<256x1xi32> to vector<256x8192xi32>
    %eq3A_387 = arith.cmpi eq, %iota3A, %eq3A_386 : vector<256x8192xi32>
    %jit3A_388 = arith.constant 0x7F800000 : f32
    %broadcast_in_dim3A_389 = vector.broadcast %jit3A_388 : f32 to vector<256x8192xf32>
    %select_n3A_390 = arith.select %eq3A_387, %broadcast_in_dim3A_389, %select_n3A_365 : vector<256x8192xi1>, vector<256x8192xf32>
    %reduce_min3A_391 = arith.constant dense<0x7F800000> : vector<256xf32>
    %reduce_min3A_392 = vector.multi_reduction <minimumf>, %select_n3A_390, %reduce_min3A_391 [1] : vector<256x8192xf32> to vector<256xf32>
    %broadcast_in_dim3A_393 = vector.shape_cast %reduce_min3A_392 : vector<256xf32> to vector<256x1xf32>
    %eq3A_394 = vector.broadcast %broadcast_in_dim3A_393 : vector<256x1xf32> to vector<256x8192xf32>
    %eq3A_395 = arith.cmpf oeq, %select_n3A_390, %eq3A_394 : vector<256x8192xf32>
    %jit3A_396 = arith.constant 8192 : i32
    %broadcast_in_dim3A_397 = vector.broadcast %jit3A_396 : i32 to vector<256x8192xi32>
    %select_n3A_398 = arith.select %eq3A_395, %iota3A, %broadcast_in_dim3A_397 : vector<256x8192xi1>, vector<256x8192xi32>
    %reduce_min3A_399 = arith.constant dense<2147483647> : vector<256xi32>
    %reduce_min3A_400 = vector.multi_reduction <minsi>, %select_n3A_398, %reduce_min3A_399 [1] : vector<256x8192xi32> to vector<256xi32>
    %broadcast_in_dim3A_401 = vector.shape_cast %reduce_min3A_400 : vector<256xi32> to vector<256x1xi32>
    %add3A_402 = vector.broadcast %mul3A_45 : i32 to vector<256x1xi32>
    %add3A_403 = arith.addi %broadcast_in_dim3A_401, %add3A_402 : vector<256x1xi32>
    %squeeze3A_404 = vector.shape_cast %add3A_403 : vector<256x1xi32> to vector<256xi32>
    %swap3A_405 = arith.constant 0 : index
    %swap3A_406 = arith.constant 0 : index
    %swap3A_407 = arith.constant 14 : index
    %swap3A_408 = vector.load %arg4[%swap3A_405, %swap3A_406, %swap3A_407] : memref<1x256x16xi32, #tpu.memory_space<vmem>>, vector<1x256x1xi32>
    %swap3A_409 = vector.shape_cast %swap3A_408 : vector<1x256x1xi32> to vector<256xi32>
    %swap3A_410 = vector.shape_cast %squeeze3A_404 : vector<256xi32> to vector<1x256x1xi32>
    tpu.vector_store %arg4[%swap3A_405, %swap3A_406, %swap3A_407], %swap3A_410 {strides = array<i32>} : memref<1x256x16xi32, #tpu.memory_space<vmem>>, vector<1x256x1xi32>,
    %eq3A_411 = vector.broadcast %broadcast_in_dim3A_401 : vector<256x1xi32> to vector<256x8192xi32>
    %eq3A_412 = arith.cmpi eq, %iota3A, %eq3A_411 : vector<256x8192xi32>
    %jit3A_413 = arith.constant 0x7F800000 : f32
    %broadcast_in_dim3A_414 = vector.broadcast %jit3A_413 : f32 to vector<256x8192xf32>
    %select_n3A_415 = arith.select %eq3A_412, %broadcast_in_dim3A_414, %select_n3A_390 : vector<256x8192xi1>, vector<256x8192xf32>
    %reduce_min3A_416 = arith.constant dense<0x7F800000> : vector<256xf32>
    %reduce_min3A_417 = vector.multi_reduction <minimumf>, %select_n3A_415, %reduce_min3A_416 [1] : vector<256x8192xf32> to vector<256xf32>
    %broadcast_in_dim3A_418 = vector.shape_cast %reduce_min3A_417 : vector<256xf32> to vector<256x1xf32>
    %eq3A_419 = vector.broadcast %broadcast_in_dim3A_418 : vector<256x1xf32> to vector<256x8192xf32>
    %eq3A_420 = arith.cmpf oeq, %select_n3A_415, %eq3A_419 : vector<256x8192xf32>
    %jit3A_421 = arith.constant 8192 : i32
    %broadcast_in_dim3A_422 = vector.broadcast %jit3A_421 : i32 to vector<256x8192xi32>
    %select_n3A_423 = arith.select %eq3A_420, %iota3A, %broadcast_in_dim3A_422 : vector<256x8192xi1>, vector<256x8192xi32>
    %reduce_min3A_424 = arith.constant dense<2147483647> : vector<256xi32>
    %reduce_min3A_425 = vector.multi_reduction <minsi>, %select_n3A_423, %reduce_min3A_424 [1] : vector<256x8192xi32> to vector<256xi32>
    %broadcast_in_dim3A_426 = vector.shape_cast %reduce_min3A_425 : vector<256xi32> to vector<256x1xi32>
    %add3A_427 = vector.broadcast %mul3A_45 : i32 to vector<256x1xi32>
    %add3A_428 = arith.addi %broadcast_in_dim3A_426, %add3A_427 : vector<256x1xi32>
    %squeeze3A_429 = vector.shape_cast %add3A_428 : vector<256x1xi32> to vector<256xi32>
    %swap3A_430 = arith.constant 0 : index
    %swap3A_431 = arith.constant 0 : index
    %swap3A_432 = arith.constant 15 : index
    %swap3A_433 = vector.load %arg4[%swap3A_430, %swap3A_431, %swap3A_432] : memref<1x256x16xi32, #tpu.memory_space<vmem>>, vector<1x256x1xi32>
    %swap3A_434 = vector.shape_cast %swap3A_433 : vector<1x256x1xi32> to vector<256xi32>
    %swap3A_435 = vector.shape_cast %squeeze3A_429 : vector<256xi32> to vector<1x256x1xi32>
    tpu.vector_store %arg4[%swap3A_430, %swap3A_431, %swap3A_432], %swap3A_435 {strides = array<i32>} : memref<1x256x16xi32, #tpu.memory_space<vmem>>, vector<1x256x1xi32>,
    return
  }
  func.func @transform_0(%arg0: i32, %arg1: i32) -> (i32, i32, i32) {
    %c0_i32 = arith.constant 0 : i32
    %c0_i32_0 = arith.constant 0 : i32
    return %arg0, %arg1, %c0_i32 : i32, i32, i32
  }
  func.func @transform_1(%arg0: i32, %arg1: i32) -> (i32, i32, i32) {
    %c0_i32 = arith.constant 0 : i32
    %c0_i32_0 = arith.constant 0 : i32
    %c0_i32_1 = arith.constant 0 : i32
    return %arg0, %c0_i32, %c0_i32_0 : i32, i32, i32
  }
  func.func @transform_2(%arg0: i32, %arg1: i32) -> (i32, i32, i32) {
    %c0_i32 = arith.constant 0 : i32
    %c0_i32_0 = arith.constant 0 : i32
    return %arg0, %arg1, %c0_i32 : i32, i32, i32
  }
}

module attributes {stable_mosaic.version = 14 : i64} {
  func.func @_mlp_body(%arg0: i32, %arg1: i32, %arg2: memref<1x2048x144xf32, #tpu.memory_space<vmem>>, %arg3: memref<1x128x3xf32, #tpu.memory_space<vmem>>, %arg4: memref<144x256xbf16, #tpu.memory_space<vmem>>, %arg5: memref<1x256xf32, #tpu.memory_space<vmem>>, %arg6: memref<1x128x256xf32, #tpu.memory_space<vmem>>, %arg7: memref<1x128x256xf32, #tpu.memory_space<vmem>>, %arg8: memref<1x2x256xf32, #tpu.memory_space<vmem>>) attributes {dimension_semantics = [#tpu.dimension_semantics<parallel>, #tpu.dimension_semantics<arbitrary>], iteration_bounds = array<i64: 2, 16>, scalar_prefetch = 0 : i64, scratch_operands = 0 : i64, tpu.core_type = #tpu.core_type<tc>, window_params = [{transform_indices = @transform_0, window_bounds = array<i64: 1, 2048, 144>}, {transform_indices = @transform_1, window_bounds = array<i64: 1, 128, 3>}, {pipeline_mode = #tpu.pipeline_mode<synchronous>, transform_indices = @transform_2, window_bounds = array<i64: 144, 256>}, {pipeline_mode = #tpu.pipeline_mode<synchronous>, transform_indices = @transform_3, window_bounds = array<i64: 1, 256>}, {transform_indices = @transform_4, window_bounds = array<i64: 1, 128, 256>}, {transform_indices = @transform_5, window_bounds = array<i64: 1, 128, 256>}, {transform_indices = @transform_6, window_bounds = array<i64: 1, 2, 256>}]} {
    %get3A = arith.constant 0 : index
    %get3A_0 = arith.constant 0 : index
    %get3A_1 = arith.constant 0 : index
    %get3A_2 = vector.load %arg2[%get3A, %get3A_0, %get3A_1] : memref<1x2048x144xf32, #tpu.memory_space<vmem>>, vector<1x2048x144xf32>
    %get3A_3 = vector.shape_cast %get3A_2 : vector<1x2048x144xf32> to vector<2048x144xf32>
    %get3A_4 = arith.constant 0 : index
    %get3A_5 = arith.constant 0 : index
    %get3A_6 = arith.constant 0 : index
    %get3A_7 = vector.load %arg3[%get3A_4, %get3A_5, %get3A_6] : memref<1x128x3xf32, #tpu.memory_space<vmem>>, vector<1x128x3xf32>
    %get3A_8 = vector.shape_cast %get3A_7 : vector<1x128x3xf32> to vector<128x3xf32>
    %concatenate3A = tpu.concatenate %get3A_8, %get3A_8, %get3A_8, %get3A_8, %get3A_8, %get3A_8, %get3A_8, %get3A_8, %get3A_8, %get3A_8, %get3A_8, %get3A_8, %get3A_8, %get3A_8, %get3A_8, %get3A_8 in 0 : vector<128x3xf32>, vector<128x3xf32>, vector<128x3xf32>, vector<128x3xf32>, vector<128x3xf32>, vector<128x3xf32>, vector<128x3xf32>, vector<128x3xf32>, vector<128x3xf32>, vector<128x3xf32>, vector<128x3xf32>, vector<128x3xf32>, vector<128x3xf32>, vector<128x3xf32>, vector<128x3xf32>, vector<128x3xf32> -> vector<2048x3xf32>
    %broadcast_in_dim3A = arith.constant 0.000000e+00 : f32
    %broadcast_in_dim3A_9 = vector.broadcast %broadcast_in_dim3A : f32 to vector<2048x128xf32>
    %broadcast_in_dim3A_10 = arith.constant 0.000000e+00 : f32
    %broadcast_in_dim3A_11 = vector.broadcast %broadcast_in_dim3A_10 : f32 to vector<2048x13xf32>
    %concatenate3A_12 = tpu.concatenate %broadcast_in_dim3A_9, %concatenate3A, %broadcast_in_dim3A_11 in 1 : vector<2048x128xf32>, vector<2048x3xf32>, vector<2048x13xf32> -> vector<2048x144xf32>
    %sub3A = arith.subf %get3A_3, %concatenate3A_12 : vector<2048x144xf32>
    %convert_element_type3A = arith.truncf %sub3A : vector<2048x144xf32> to vector<2048x144xbf16>
    %get3A_13 = arith.constant 0 : index
    %get3A_14 = arith.constant 0 : index
    %get3A_15 = vector.load %arg4[%get3A_13, %get3A_14] : memref<144x256xbf16, #tpu.memory_space<vmem>>, vector<144x256xbf16>
    %dot_general3A = arith.constant dense<0.000000e+00> : vector<2048x256xf32>
    %dot_general3A_16 = tpu.matmul %convert_element_type3A, %get3A_15, %dot_general3A {dimension_numbers = #tpu.dot_dimension_numbers<[1], [0], [0], [1], [0, 0, 1, 1], [], []>, transpose_lhs_hint = false} : vector<2048x144xbf16>, vector<144x256xbf16>, vector<2048x256xf32> -> vector<2048x256xf32>
    %get3A_17 = arith.constant 0 : index
    %get3A_18 = arith.constant 0 : index
    %get3A_19 = vector.load %arg5[%get3A_17, %get3A_18] : memref<1x256xf32, #tpu.memory_space<vmem>>, vector<1x256xf32>
    %add3A = vector.broadcast %get3A_19 : vector<1x256xf32> to vector<2048x256xf32>
    %add3A_20 = arith.addf %dot_general3A_16, %add3A : vector<2048x256xf32>
    %slice3A = vector.extract_strided_slice %add3A_20 {offsets = [0, 0], sizes = [128, 256], strides = [1, 1]} : vector<2048x256xf32> to vector<128x256xf32>
    %slice3A_21 = vector.extract_strided_slice %add3A_20 {offsets = [0, 0], sizes = [128, 256], strides = [1, 1]} : vector<2048x256xf32> to vector<128x256xf32>
    %slice3A_22 = vector.extract_strided_slice %add3A_20 {offsets = [128, 0], sizes = [128, 256], strides = [1, 1]} : vector<2048x256xf32> to vector<128x256xf32>
    %max3A = arith.maximumf %slice3A, %slice3A_22 : vector<128x256xf32>
    %min3A = arith.minimumf %slice3A_21, %slice3A_22 : vector<128x256xf32>
    %slice3A_23 = vector.extract_strided_slice %add3A_20 {offsets = [256, 0], sizes = [128, 256], strides = [1, 1]} : vector<2048x256xf32> to vector<128x256xf32>
    %max3A_24 = arith.maximumf %max3A, %slice3A_23 : vector<128x256xf32>
    %min3A_25 = arith.minimumf %min3A, %slice3A_23 : vector<128x256xf32>
    %slice3A_26 = vector.extract_strided_slice %add3A_20 {offsets = [384, 0], sizes = [128, 256], strides = [1, 1]} : vector<2048x256xf32> to vector<128x256xf32>
    %max3A_27 = arith.maximumf %max3A_24, %slice3A_26 : vector<128x256xf32>
    %min3A_28 = arith.minimumf %min3A_25, %slice3A_26 : vector<128x256xf32>
    %slice3A_29 = vector.extract_strided_slice %add3A_20 {offsets = [512, 0], sizes = [128, 256], strides = [1, 1]} : vector<2048x256xf32> to vector<128x256xf32>
    %max3A_30 = arith.maximumf %max3A_27, %slice3A_29 : vector<128x256xf32>
    %min3A_31 = arith.minimumf %min3A_28, %slice3A_29 : vector<128x256xf32>
    %slice3A_32 = vector.extract_strided_slice %add3A_20 {offsets = [640, 0], sizes = [128, 256], strides = [1, 1]} : vector<2048x256xf32> to vector<128x256xf32>
    %max3A_33 = arith.maximumf %max3A_30, %slice3A_32 : vector<128x256xf32>
    %min3A_34 = arith.minimumf %min3A_31, %slice3A_32 : vector<128x256xf32>
    %slice3A_35 = vector.extract_strided_slice %add3A_20 {offsets = [768, 0], sizes = [128, 256], strides = [1, 1]} : vector<2048x256xf32> to vector<128x256xf32>
    %max3A_36 = arith.maximumf %max3A_33, %slice3A_35 : vector<128x256xf32>
    %min3A_37 = arith.minimumf %min3A_34, %slice3A_35 : vector<128x256xf32>
    %slice3A_38 = vector.extract_strided_slice %add3A_20 {offsets = [896, 0], sizes = [128, 256], strides = [1, 1]} : vector<2048x256xf32> to vector<128x256xf32>
    %max3A_39 = arith.maximumf %max3A_36, %slice3A_38 : vector<128x256xf32>
    %min3A_40 = arith.minimumf %min3A_37, %slice3A_38 : vector<128x256xf32>
    %slice3A_41 = vector.extract_strided_slice %add3A_20 {offsets = [1024, 0], sizes = [128, 256], strides = [1, 1]} : vector<2048x256xf32> to vector<128x256xf32>
    %max3A_42 = arith.maximumf %max3A_39, %slice3A_41 : vector<128x256xf32>
    %min3A_43 = arith.minimumf %min3A_40, %slice3A_41 : vector<128x256xf32>
    %slice3A_44 = vector.extract_strided_slice %add3A_20 {offsets = [1152, 0], sizes = [128, 256], strides = [1, 1]} : vector<2048x256xf32> to vector<128x256xf32>
    %max3A_45 = arith.maximumf %max3A_42, %slice3A_44 : vector<128x256xf32>
    %min3A_46 = arith.minimumf %min3A_43, %slice3A_44 : vector<128x256xf32>
    %slice3A_47 = vector.extract_strided_slice %add3A_20 {offsets = [1280, 0], sizes = [128, 256], strides = [1, 1]} : vector<2048x256xf32> to vector<128x256xf32>
    %max3A_48 = arith.maximumf %max3A_45, %slice3A_47 : vector<128x256xf32>
    %min3A_49 = arith.minimumf %min3A_46, %slice3A_47 : vector<128x256xf32>
    %slice3A_50 = vector.extract_strided_slice %add3A_20 {offsets = [1408, 0], sizes = [128, 256], strides = [1, 1]} : vector<2048x256xf32> to vector<128x256xf32>
    %max3A_51 = arith.maximumf %max3A_48, %slice3A_50 : vector<128x256xf32>
    %min3A_52 = arith.minimumf %min3A_49, %slice3A_50 : vector<128x256xf32>
    %slice3A_53 = vector.extract_strided_slice %add3A_20 {offsets = [1536, 0], sizes = [128, 256], strides = [1, 1]} : vector<2048x256xf32> to vector<128x256xf32>
    %max3A_54 = arith.maximumf %max3A_51, %slice3A_53 : vector<128x256xf32>
    %min3A_55 = arith.minimumf %min3A_52, %slice3A_53 : vector<128x256xf32>
    %slice3A_56 = vector.extract_strided_slice %add3A_20 {offsets = [1664, 0], sizes = [128, 256], strides = [1, 1]} : vector<2048x256xf32> to vector<128x256xf32>
    %max3A_57 = arith.maximumf %max3A_54, %slice3A_56 : vector<128x256xf32>
    %min3A_58 = arith.minimumf %min3A_55, %slice3A_56 : vector<128x256xf32>
    %slice3A_59 = vector.extract_strided_slice %add3A_20 {offsets = [1792, 0], sizes = [128, 256], strides = [1, 1]} : vector<2048x256xf32> to vector<128x256xf32>
    %max3A_60 = arith.maximumf %max3A_57, %slice3A_59 : vector<128x256xf32>
    %min3A_61 = arith.minimumf %min3A_58, %slice3A_59 : vector<128x256xf32>
    %slice3A_62 = vector.extract_strided_slice %add3A_20 {offsets = [1920, 0], sizes = [128, 256], strides = [1, 1]} : vector<2048x256xf32> to vector<128x256xf32>
    %max3A_63 = arith.maximumf %max3A_60, %slice3A_62 : vector<128x256xf32>
    %min3A_64 = arith.minimumf %min3A_61, %slice3A_62 : vector<128x256xf32>
    %swap3A = arith.constant 0 : index
    %swap3A_65 = arith.constant 0 : index
    %swap3A_66 = arith.constant 0 : index
    %swap3A_67 = vector.load %arg6[%swap3A, %swap3A_65, %swap3A_66] : memref<1x128x256xf32, #tpu.memory_space<vmem>>, vector<1x128x256xf32>
    %swap3A_68 = vector.shape_cast %swap3A_67 : vector<1x128x256xf32> to vector<128x256xf32>
    %swap3A_69 = vector.shape_cast %max3A_63 : vector<128x256xf32> to vector<1x128x256xf32>
    tpu.vector_store %arg6[%swap3A, %swap3A_65, %swap3A_66], %swap3A_69 {strides = array<i32>} : memref<1x128x256xf32, #tpu.memory_space<vmem>>, vector<1x128x256xf32>,
    %swap3A_70 = arith.constant 0 : index
    %swap3A_71 = arith.constant 0 : index
    %swap3A_72 = arith.constant 0 : index
    %swap3A_73 = vector.load %arg7[%swap3A_70, %swap3A_71, %swap3A_72] : memref<1x128x256xf32, #tpu.memory_space<vmem>>, vector<1x128x256xf32>
    %swap3A_74 = vector.shape_cast %swap3A_73 : vector<1x128x256xf32> to vector<128x256xf32>
    %swap3A_75 = vector.shape_cast %min3A_64 : vector<128x256xf32> to vector<1x128x256xf32>
    tpu.vector_store %arg7[%swap3A_70, %swap3A_71, %swap3A_72], %swap3A_75 {strides = array<i32>} : memref<1x128x256xf32, #tpu.memory_space<vmem>>, vector<1x128x256xf32>,
    %reduce_sum3A = arith.constant dense<0.000000e+00> : vector<256xf32>
    %reduce_sum3A_76 = vector.multi_reduction <add>, %add3A_20, %reduce_sum3A [0] : vector<2048x256xf32> to vector<256xf32>
    %broadcast_in_dim3A_77 = vector.shape_cast %reduce_sum3A_76 : vector<256xf32> to vector<1x256xf32>
    %mul3A = arith.mulf %add3A_20, %add3A_20 : vector<2048x256xf32>
    %reduce_sum3A_78 = arith.constant dense<0.000000e+00> : vector<256xf32>
    %reduce_sum3A_79 = vector.multi_reduction <add>, %mul3A, %reduce_sum3A_78 [0] : vector<2048x256xf32> to vector<256xf32>
    %broadcast_in_dim3A_80 = vector.shape_cast %reduce_sum3A_79 : vector<256xf32> to vector<1x256xf32>
    %concatenate3A_81 = tpu.concatenate %broadcast_in_dim3A_77, %broadcast_in_dim3A_80 in 0 : vector<1x256xf32>, vector<1x256xf32> -> vector<2x256xf32>
    %broadcast_in_dim3A_82 = vector.shape_cast %concatenate3A_81 : vector<2x256xf32> to vector<1x2x256xf32>
    %eq3A = arith.constant 0 : i32
    %eq3A_83 = arith.cmpi eq, %arg1, %eq3A : i32
    %convert_element_type3A_84 = arith.extui %eq3A_83 : i1 to i32
    %cond3A = arith.constant 0 : i32
    %cond3A_85 = arith.cmpi ne, %convert_element_type3A_84, %cond3A : i32
    scf.if %cond3A_85 {
      %broadcast_in_dim3A_95 = arith.constant 0.000000e+00 : f32
      %broadcast_in_dim3A_96 = vector.broadcast %broadcast_in_dim3A_95 : f32 to vector<1x2x256xf32>
      %swap3A_97 = arith.constant 0 : index
      %swap3A_98 = arith.constant 0 : index
      %swap3A_99 = arith.constant 0 : index
      %swap3A_100 = vector.load %arg8[%swap3A_97, %swap3A_98, %swap3A_99] : memref<1x2x256xf32, #tpu.memory_space<vmem>>, vector<1x2x256xf32>
      tpu.vector_store %arg8[%swap3A_97, %swap3A_98, %swap3A_99], %broadcast_in_dim3A_96 {strides = array<i32>} : memref<1x2x256xf32, #tpu.memory_space<vmem>>, vector<1x2x256xf32>,
    } else {
    }
    %get3A_86 = arith.constant 0 : index
    %get3A_87 = arith.constant 0 : index
    %get3A_88 = arith.constant 0 : index
    %get3A_89 = vector.load %arg8[%get3A_86, %get3A_87, %get3A_88] : memref<1x2x256xf32, #tpu.memory_space<vmem>>, vector<1x2x256xf32>
    %add3A_90 = arith.addf %get3A_89, %broadcast_in_dim3A_82 : vector<1x2x256xf32>
    %swap3A_91 = arith.constant 0 : index
    %swap3A_92 = arith.constant 0 : index
    %swap3A_93 = arith.constant 0 : index
    %swap3A_94 = vector.load %arg8[%swap3A_91, %swap3A_92, %swap3A_93] : memref<1x2x256xf32, #tpu.memory_space<vmem>>, vector<1x2x256xf32>
    tpu.vector_store %arg8[%swap3A_91, %swap3A_92, %swap3A_93], %add3A_90 {strides = array<i32>} : memref<1x2x256xf32, #tpu.memory_space<vmem>>, vector<1x2x256xf32>,
    return
  }
  func.func @transform_0(%arg0: i32, %arg1: i32) -> (i32, i32, i32) {
    %c0_i32 = arith.constant 0 : i32
    %c0_i32_0 = arith.constant 0 : i32
    return %arg0, %arg1, %c0_i32 : i32, i32, i32
  }
  func.func @transform_1(%arg0: i32, %arg1: i32) -> (i32, i32, i32) {
    %c0_i32 = arith.constant 0 : i32
    %c0_i32_0 = arith.constant 0 : i32
    return %arg0, %arg1, %c0_i32 : i32, i32, i32
  }
  func.func @transform_2(%arg0: i32, %arg1: i32) -> (i32, i32) {
    %c0_i32 = arith.constant 0 : i32
    %c0_i32_0 = arith.constant 0 : i32
    %c0_i32_1 = arith.constant 0 : i32
    return %c0_i32, %c0_i32_0 : i32, i32
  }
  func.func @transform_3(%arg0: i32, %arg1: i32) -> (i32, i32) {
    %c0_i32 = arith.constant 0 : i32
    %c0_i32_0 = arith.constant 0 : i32
    %c0_i32_1 = arith.constant 0 : i32
    return %c0_i32, %c0_i32_0 : i32, i32
  }
  func.func @transform_4(%arg0: i32, %arg1: i32) -> (i32, i32, i32) {
    %c0_i32 = arith.constant 0 : i32
    %c0_i32_0 = arith.constant 0 : i32
    return %arg0, %arg1, %c0_i32 : i32, i32, i32
  }
  func.func @transform_5(%arg0: i32, %arg1: i32) -> (i32, i32, i32) {
    %c0_i32 = arith.constant 0 : i32
    %c0_i32_0 = arith.constant 0 : i32
    return %arg0, %arg1, %c0_i32 : i32, i32, i32
  }
  func.func @transform_6(%arg0: i32, %arg1: i32) -> (i32, i32, i32) {
    %c0_i32 = arith.constant 0 : i32
    %c0_i32_0 = arith.constant 0 : i32
    %c0_i32_1 = arith.constant 0 : i32
    return %arg0, %c0_i32, %c0_i32_0 : i32, i32, i32
  }
}

module attributes {stable_mosaic.version = 14 : i64} {
  func.func @_fin_body(%arg0: i32, %arg1: i32, %arg2: memref<1x128x256xf32, #tpu.memory_space<vmem>>, %arg3: memref<1x128x256xf32, #tpu.memory_space<vmem>>, %arg4: memref<2x2x256xf32, #tpu.memory_space<vmem>>, %arg5: memref<1x256xf32, #tpu.memory_space<vmem>>, %arg6: memref<1x256xf32, #tpu.memory_space<vmem>>, %arg7: memref<1x128x256xf32, #tpu.memory_space<vmem>>) attributes {dimension_semantics = [#tpu.dimension_semantics<parallel>, #tpu.dimension_semantics<parallel>], iteration_bounds = array<i64: 2, 16>, scalar_prefetch = 0 : i64, scratch_operands = 0 : i64, tpu.core_type = #tpu.core_type<tc>, window_params = [{transform_indices = @transform_0, window_bounds = array<i64: 1, 128, 256>}, {transform_indices = @transform_1, window_bounds = array<i64: 1, 128, 256>}, {pipeline_mode = #tpu.pipeline_mode<synchronous>, transform_indices = @transform_2, window_bounds = array<i64: 2, 2, 256>}, {pipeline_mode = #tpu.pipeline_mode<synchronous>, transform_indices = @transform_3, window_bounds = array<i64: 1, 256>}, {pipeline_mode = #tpu.pipeline_mode<synchronous>, transform_indices = @transform_4, window_bounds = array<i64: 1, 256>}, {transform_indices = @transform_5, window_bounds = array<i64: 1, 128, 256>}]} {
    %get3A = arith.constant 0 : index
    %get3A_0 = arith.constant 0 : index
    %get3A_1 = arith.constant 0 : index
    %get3A_2 = vector.load %arg4[%get3A, %get3A_0, %get3A_1] : memref<2x2x256xf32, #tpu.memory_space<vmem>>, vector<1x2x256xf32>
    %get3A_3 = vector.shape_cast %get3A_2 : vector<1x2x256xf32> to vector<2x256xf32>
    %get3A_4 = arith.constant 1 : index
    %get3A_5 = arith.constant 0 : index
    %get3A_6 = arith.constant 0 : index
    %get3A_7 = vector.load %arg4[%get3A_4, %get3A_5, %get3A_6] : memref<2x2x256xf32, #tpu.memory_space<vmem>>, vector<1x2x256xf32>
    %get3A_8 = vector.shape_cast %get3A_7 : vector<1x2x256xf32> to vector<2x256xf32>
    %add3A = arith.addf %get3A_3, %get3A_8 : vector<2x256xf32>
    %slice3A = vector.extract_strided_slice %add3A {offsets = [0, 0], sizes = [1, 256], strides = [1, 1]} : vector<2x256xf32> to vector<1x256xf32>
    %div3A = arith.constant 6.553600e+04 : f32
    %div3A_9 = vector.broadcast %div3A : f32 to vector<1x256xf32>
    %div3A_10 = arith.divf %slice3A, %div3A_9 : vector<1x256xf32>
    %slice3A_11 = vector.extract_strided_slice %add3A {offsets = [1, 0], sizes = [1, 256], strides = [1, 1]} : vector<2x256xf32> to vector<1x256xf32>
    %div3A_12 = arith.constant 6.553600e+04 : f32
    %div3A_13 = vector.broadcast %div3A_12 : f32 to vector<1x256xf32>
    %div3A_14 = arith.divf %slice3A_11, %div3A_13 : vector<1x256xf32>
    %mul3A = arith.mulf %div3A_10, %div3A_10 : vector<1x256xf32>
    %sub3A = arith.subf %div3A_14, %mul3A : vector<1x256xf32>
    %add3A_15 = arith.constant 9.99999974E-6 : f32
    %add3A_16 = vector.broadcast %add3A_15 : f32 to vector<1x256xf32>
    %add3A_17 = arith.addf %sub3A, %add3A_16 : vector<1x256xf32>
    %sqrt3A = math.sqrt %add3A_17 : vector<1x256xf32>
    %get3A_18 = arith.constant 0 : index
    %get3A_19 = arith.constant 0 : index
    %get3A_20 = vector.load %arg5[%get3A_18, %get3A_19] : memref<1x256xf32, #tpu.memory_space<vmem>>, vector<1x256xf32>
    %ge3A = arith.constant 0.000000e+00 : f32
    %ge3A_21 = vector.broadcast %ge3A : f32 to vector<1x256xf32>
    %ge3A_22 = arith.cmpf oge, %get3A_20, %ge3A_21 : vector<1x256xf32>
    %get3A_23 = arith.constant 0 : index
    %get3A_24 = arith.constant 0 : index
    %get3A_25 = arith.constant 0 : index
    %get3A_26 = vector.load %arg2[%get3A_23, %get3A_24, %get3A_25] : memref<1x128x256xf32, #tpu.memory_space<vmem>>, vector<1x128x256xf32>
    %get3A_27 = vector.shape_cast %get3A_26 : vector<1x128x256xf32> to vector<128x256xf32>
    %get3A_28 = arith.constant 0 : index
    %get3A_29 = arith.constant 0 : index
    %get3A_30 = arith.constant 0 : index
    %get3A_31 = vector.load %arg3[%get3A_28, %get3A_29, %get3A_30] : memref<1x128x256xf32, #tpu.memory_space<vmem>>, vector<1x128x256xf32>
    %get3A_32 = vector.shape_cast %get3A_31 : vector<1x128x256xf32> to vector<128x256xf32>
    %broadcast_in_dim3A = vector.shape_cast %ge3A_22 : vector<1x256xi1> to vector<1x256xi1>
    %broadcast_in_dim3A_33 = vector.broadcast %broadcast_in_dim3A : vector<1x256xi1> to vector<128x256xi1>
    %select_n3A = arith.select %broadcast_in_dim3A_33, %get3A_27, %get3A_32 : vector<128x256xi1>, vector<128x256xf32>
    %sub3A_34 = vector.broadcast %div3A_10 : vector<1x256xf32> to vector<128x256xf32>
    %sub3A_35 = arith.subf %select_n3A, %sub3A_34 : vector<128x256xf32>
    %div3A_36 = vector.broadcast %sqrt3A : vector<1x256xf32> to vector<128x256xf32>
    %div3A_37 = arith.divf %sub3A_35, %div3A_36 : vector<128x256xf32>
    %mul3A_38 = vector.broadcast %get3A_20 : vector<1x256xf32> to vector<128x256xf32>
    %mul3A_39 = arith.mulf %div3A_37, %mul3A_38 : vector<128x256xf32>
    %get3A_40 = arith.constant 0 : index
    %get3A_41 = arith.constant 0 : index
    %get3A_42 = vector.load %arg6[%get3A_40, %get3A_41] : memref<1x256xf32, #tpu.memory_space<vmem>>, vector<1x256xf32>
    %add3A_43 = vector.broadcast %get3A_42 : vector<1x256xf32> to vector<128x256xf32>
    %add3A_44 = arith.addf %mul3A_39, %add3A_43 : vector<128x256xf32>
    %max3A = arith.constant 0.000000e+00 : f32
    %max3A_45 = vector.broadcast %max3A : f32 to vector<128x256xf32>
    %max3A_46 = arith.maximumf %add3A_44, %max3A_45 : vector<128x256xf32>
    %swap3A = arith.constant 0 : index
    %swap3A_47 = arith.constant 0 : index
    %swap3A_48 = arith.constant 0 : index
    %swap3A_49 = vector.load %arg7[%swap3A, %swap3A_47, %swap3A_48] : memref<1x128x256xf32, #tpu.memory_space<vmem>>, vector<1x128x256xf32>
    %swap3A_50 = vector.shape_cast %swap3A_49 : vector<1x128x256xf32> to vector<128x256xf32>
    %swap3A_51 = vector.shape_cast %max3A_46 : vector<128x256xf32> to vector<1x128x256xf32>
    tpu.vector_store %arg7[%swap3A, %swap3A_47, %swap3A_48], %swap3A_51 {strides = array<i32>} : memref<1x128x256xf32, #tpu.memory_space<vmem>>, vector<1x128x256xf32>,
    return
  }
  func.func @transform_0(%arg0: i32, %arg1: i32) -> (i32, i32, i32) {
    %c0_i32 = arith.constant 0 : i32
    %c0_i32_0 = arith.constant 0 : i32
    return %arg0, %arg1, %c0_i32 : i32, i32, i32
  }
  func.func @transform_1(%arg0: i32, %arg1: i32) -> (i32, i32, i32) {
    %c0_i32 = arith.constant 0 : i32
    %c0_i32_0 = arith.constant 0 : i32
    return %arg0, %arg1, %c0_i32 : i32, i32, i32
  }
  func.func @transform_2(%arg0: i32, %arg1: i32) -> (i32, i32, i32) {
    %c0_i32 = arith.constant 0 : i32
    %c0_i32_0 = arith.constant 0 : i32
    %c0_i32_1 = arith.constant 0 : i32
    %c0_i32_2 = arith.constant 0 : i32
    return %c0_i32, %c0_i32_0, %c0_i32_1 : i32, i32, i32
  }
  func.func @transform_3(%arg0: i32, %arg1: i32) -> (i32, i32) {
    %c0_i32 = arith.constant 0 : i32
    %c0_i32_0 = arith.constant 0 : i32
    %c0_i32_1 = arith.constant 0 : i32
    return %c0_i32, %c0_i32_0 : i32, i32
  }
  func.func @transform_4(%arg0: i32, %arg1: i32) -> (i32, i32) {
    %c0_i32 = arith.constant 0 : i32
    %c0_i32_0 = arith.constant 0 : i32
    %c0_i32_1 = arith.constant 0 : i32
    return %c0_i32, %c0_i32_0 : i32, i32
  }
  func.func @transform_5(%arg0: i32, %arg1: i32) -> (i32, i32, i32) {
    %c0_i32 = arith.constant 0 : i32
    %c0_i32_0 = arith.constant 0 : i32
    return %arg0, %arg1, %c0_i32 : i32, i32, i32
  }
}

</mosaic_0001>

<sc_bundles>
// kernel: kernel.7.cloned.1.call-start
scs
__scs_entry_jumppad:
0x0: {  	(pc) =	sbr.rel $0x88, $3  }
0x1: {  	(tag) =	ssettag $0x0;
	lr =	simm.s32 $0x1  }
0x2: {  	[smem:$0x3F9B] =	sst lr;
	_ =	strace $0xD0000000  }
0x3: {  	_ = 	snop  }
0x4: {  	_ = 	snop  }
0x5: {  	_ = 	snop  }
0x6: {  	_ = 	snop  }
0x7: {  	_ = 	snop  }
__scs_overlays_trampoline_lowered:
0x8: {  	[smem:$0x3FAA] =	sst s0  }
0x9: {  	[smem:$0x3FAB] =	sst s1  }
0xa: {  	[smem:$0x3FAC] =	sst s2  }
0xb: {  	[smem:$0x3FAD] =	sst s3  }
0xc: {  	[smem:$0x3FAE] =	sst s4  }
0xd: {  	[smem:$0x3FAF] =	sst s5  }
0xe: {  	[smem:$0x3FB0] =	sst s6  }
0xf: {  	[smem:$0x3FB1] =	sst s7  }
0x10: {  	[smem:$0x3FB2] =	sst s8  }
0x11: {  	[smem:$0x3FB3] =	sst s9;
	s0 =	simm.s32 @!p0 $0x0  }
0x12: {  	s1 =	sld [smem:$0x3F99];
	s0 =	simm.s32 @p0 $0x1  }
0x13: {  	[smem:$0x3FB4] =	sst s0;
	s0 =	simm.s32 @!p1 $0x0  }
0x14: {  	s2 =	sld [smem:$0x3F98];
	s0 =	simm.s32 @p1 $0x1  }
0x15: {  	[smem:$0x3FB5] =	sst s0;
	s0 =	simm.s32 @!p2 $0x0  }
0x16: {  	s3 =	sld [smem:$0x3FDB];
	s0 =	simm.s32 @p2 $0x1  }
0x17: {  	s4 =	simm.s32 $0x1BF5;
	[smem:$0x3FB7] =	sst s0  }
0x18: {  	s0 =	sld [smem:$0x3F9A];
	_ =	swait.ge [sflag:s4], $0x0  }
0x19: {  	s7 =	sld [smem:$0x3F9B]  }
0x1a: {  	s8 =	sadd.s32 $0xFFFFE003, lr  }
0x1b: {  	s9 =	sadd.s32 $0xFFFFFEF7, lr;
	s5 =	simm.s32 $0xFFFFFFFF;
	p2 =	slt.u32 s8, $0xFFFFF086  }
0x1c: {  	p1 =	slt.u32 s9, $0xF7A;
	s5 =	simm.s32 @!p2 $0x0  }
0x1d: {  	s5 =	simm.s32 @p1 $0x1;
	p0 =	seq.s32 s7, s2  }
0x1e: {  	s7 =	smul.u32 @!p0 $0xF7A, s2;
	p2 =	seq.s32 @!p0 s5, $0x0  }
0x1f: {  	s9 =	smul.u32 $0xF7A, s1;
	s8 =	simm.s32 @!p0 $0x1BF5;
	p2 =	por !p2, p0  }
0x20: {  	[sflag:s8] =	ssyncset.s32 @!p0 $0xFFFFF086;
	s6 =	sadd.s32 @!p0 s3, s7;
	s7 =	simm.s32 @!p0 $0x108  }
0x21: {  	s3 =	sadd.s32 s3, s9;
	s6 =	sadd.s32 @!p0 $0x88, s6;
	s7 =	simm.s32 @p2 $0x1082  }
0x22: {  	[simem:s7], [sflag:s8] =	dma.local @!p0 [hbm:s6], $0xF7A  }
0x23: {  	s9 =	sor.u32 $0xD0000000, s2;
	s6 =	simm.s32 $0x108;
	_ =	swait.ge @!p0 [sflag:s8], $0x0  }
0x24: {  	s3 =	sadd.s32 $0x88, s3;
	s6 =	simm.s32 @!p1 $0x1082;
	[sflag:s4] =	ssyncset.s32 $0xFFFFF086  }
0x25: {  	[simem:s6], [sflag:s4] =	dma.local [hbm:s3], $0xF7A  }
0x26: {  	[smem:$0x3F9B] =	sst s1;
	(tag) =	ssettag s2;
	_ =	strace s9  }
0x27: {  	s1 =	sld [smem:$0x3FAB]  }
0x28: {  	s2 =	sld [smem:$0x3FAC]  }
0x29: {  	s4 =	sld [smem:$0x3FAE]  }
0x2a: {  	p0 =	seq.s32 s5, $0x0;
	s5 =	sld [smem:$0x3FAF]  }
0x2b: {  	s6 =	sld [smem:$0x3FB0]  }
0x2c: {  	s7 =	sld [smem:$0x3FB1]  }
0x2d: {  	s3 =	simm.s32 $0x108;
	s8 =	sld [smem:$0x3FB2]  }
0x2e: {  	s3 =	simm.s32 @!p0 $0x1082;
	s9 =	sld [smem:$0x3FB3]  }
0x2f: {  	lr =	sadd.s32 s0, s3;
	s0 =	sld [smem:$0x3FAA]  }
0x30: {  	s3 =	sld [smem:$0x3FAD]  }
0x31: {  	[smem:$0x3FB6] =	sst s10  }
0x32: {  	s10 =	sld [smem:$0x3FB4];
	_ =	sdelay $0x3  }
0x33: {  	p0 =	seq.s32 s10, $0x1;
	s10 =	sld [smem:$0x3FB6];
	_ =	sdelay $0x3  }
0x34: {  	[smem:$0x3FB6] =	sst s10  }
0x35: {  	s10 =	sld [smem:$0x3FB5];
	_ =	sdelay $0x3  }
0x36: {  	p1 =	seq.s32 s10, $0x1;
	s10 =	sld [smem:$0x3FB6];
	_ =	sdelay $0x3  }
0x37: {  	[smem:$0x3FB6] =	sst s10  }
0x38: {  	s10 =	sld [smem:$0x3FB7]  }
0x39: {  	_ = 	snop;
	(pc) =	sbr.ind lr, $3  }
0x3a: {  	_ = 	snop  }
0x3b: {  	_ = 	snop  }
0x3c: {  	p2 =	seq.s32 s10, $0x1;
	s10 =	sld [smem:$0x3FB6]  }
0x3d: {  	_ =	shalt  }
0x3e: {  	_ =	shalt  }
0x3f: {  	_ =	shalt  }
0x40: {  	_ =	shalt  }
0x41: {  	_ =	shalt  }
0x42: {  	_ =	shalt  }
0x43: {  	_ =	shalt  }
0x44: {  	_ =	shalt  }
0x45: {  	_ =	shalt  }
0x46: {  	_ =	shalt  }
0x47: {  	_ =	shalt  }
0x48: {  	_ =	shalt  }
0x49: {  	_ =	shalt  }
0x4a: {  	_ =	shalt  }
0x4b: {  	_ =	shalt  }
0x4c: {  	_ =	shalt  }
0x4d: {  	_ =	shalt  }
0x4e: {  	_ =	shalt  }
0x4f: {  	_ =	shalt  }
0x50: {  	_ =	shalt  }
0x51: {  	_ =	shalt  }
0x52: {  	_ =	shalt  }
0x53: {  	_ =	shalt  }
0x54: {  	_ =	shalt  }
0x55: {  	_ =	shalt  }
0x56: {  	_ =	shalt  }
0x57: {  	_ =	shalt  }
0x58: {  	_ =	shalt  }
0x59: {  	_ =	shalt  }
0x5a: {  	_ =	shalt  }
0x5b: {  	_ =	shalt  }
0x5c: {  	_ =	shalt  }
0x5d: {  	_ =	shalt  }
0x5e: {  	_ =	shalt  }
0x5f: {  	_ =	shalt  }
0x60: {  	_ =	shalt  }
0x61: {  	_ =	shalt  }
0x62: {  	_ =	shalt  }
0x63: {  	_ =	shalt  }
0x64: {  	_ =	shalt  }
0x65: {  	_ =	shalt  }
0x66: {  	_ =	shalt  }
0x67: {  	_ =	shalt  }
0x68: {  	_ =	shalt  }
0x69: {  	_ =	shalt  }
0x6a: {  	_ =	shalt  }
0x6b: {  	_ =	shalt  }
0x6c: {  	_ =	shalt  }
0x6d: {  	_ =	shalt  }
0x6e: {  	_ =	shalt  }
0x6f: {  	_ =	shalt  }
0x70: {  	_ =	shalt  }
0x71: {  	_ =	shalt  }
0x72: {  	_ =	shalt  }
0x73: {  	_ =	shalt  }
0x74: {  	_ =	shalt  }
0x75: {  	_ =	shalt  }
0x76: {  	_ =	shalt  }
0x77: {  	_ =	shalt  }
0x78: {  	_ =	shalt  }
0x79: {  	_ =	shalt  }
0x7a: {  	_ =	shalt  }
0x7b: {  	_ =	shalt  }
0x7c: {  	_ =	shalt  }
0x7d: {  	_ =	shalt  }
0x7e: {  	_ =	shalt  }
0x7f: {  	_ =	shalt  }
0x80: {  	_ =	shalt  }
0x81: {  	_ =	shalt  }
0x82: {  	_ =	shalt  }
0x83: {  	_ =	shalt  }
0x84: {  	_ =	shalt  }
0x85: {  	_ =	shalt  }
0x86: {  	_ =	shalt  }
0x87: {  	_ =	shalt  }
.Lfunc_end0:
.L_simem_size_0:
called_computation_lowered:
.L_overlay_start_0:
0x88: {  	s2 =	sld [smem:$0x3FD9]  }
0x89: {  	s3 =	sld [smem:$0x3FFE];
	_ =	sdelay $0x1  }
0x8a: {  	s1 =	srdreg.scid  }
0x8b: {  	s0 =	sand.u32 $0x1, s1  }
0x8c: {  	s14 =	sshll.u32 s0, $0xA;
	s2 =	sadd.s32 s3, s2  }
0x8d: {  	s2 =	sadd.s32 s2, s14  }
0x8e: {  	[smem:$0x3FC2] =	sst s2  }
0x8f: {  	_ = 	snop  }
0x90: {  	s2 =	sld [smem:$0x3FD0];
	_ =	sdelay $0x2  }
0x91: {  	s15 =	simm.s32 $0xA;
	s4 =	simm.s32 $0x10  }
0x92: {  	[smem:s4], [sflag:s15] =	dma.local [hbm:s2], $0x1  }
0x93: {  	_ =	swait.eq [sflag:s15], $0x1  }
0x94: {  	[sflag:s15] =	ssyncset.done $0x0  }
0x95: {  	[sflag:s15] =	ssyncadd.s32 $0xFFFFFFFF  }
0x96: {  	s16 =	sld [smem:$0x11];
	(tm) =	ssettm $0x1  }
0x97: {  	s17 =	sld [smem:$0x3FFB];
	_ =	sdelay $0x3  }
0x98: {  	_ =	strace s17  }
0x99: {  	s3 =	sld [smem:$0x3FFC];
	_ =	sdelay $0x3  }
0x9a: {  	_ =	strace s3  }
0x9b: {  	s3 =	sld [smem:$0x3FFD];
	_ =	sdelay $0x3  }
0x9c: {  	_ =	strace s3  }
0x9d: {  	_ =	strace $0x8FFFFFFF  }
0x9e: {  	s18 =	sld [smem:$0x3FDB];
	_ =	sdelay $0x1  }
0x9f: {  	s19 =	simm.s32 $_scs_section_size  }
0xa0: {  	s5 =	simm.s32 $_size__tile_overlayer_lowered;
	s6 =	simm.s32 $_tile_overlayer_lowered  }
0xa1: {  	s22 =	simm.s32 $0x1BFF;
	s21 =	sshll.u32 s6, $0x1;
	s3 =	sadd.s32 s19, s18  }
0xa2: {  	s7 =	simm.s32 $0x0;
	s20 =	sshll.u32 s5, $0x1;
	s5 =	sadd.s32 s21, s3  }
0xa3: {  	[timem:s7], [sflag:s22] =	dma.local [hbm:s5], s20  }
0xa4: {  	_ =	swait.ge [sflag:s22], s20  }
0xa5: {  	s4 =	ssub.s32 $0x0, s20;
	[sflag:s22] =	ssyncset.done $0x0  }
0xa6: {  	[sflag:s22] =	ssyncadd.s32 s4;
	_ =	sdelay $0x1  }
0xa7: {  	s23 =	simm.s32 $0x1B8B  }
0xa8: {  	_ =	swait.ge [sflag:s23], $0x1  }
0xa9: {  	[sflag:s23] =	ssyncset.done $0x0  }
0xaa: {  	s25 =	simm.s32 $0x1B8E;
	s24 =	sld [smem:$0x3FFE];
	[sflag:s23] =	ssyncadd.s32 $0xFFFFFFFF  }
0xab: {  	s26 =	simm.s32 $execute0_lowered;
	[smem:$0x3FD2] =	sst s25  }
0xac: {  	s5 =	sshll.u32 s26, $0x1;
	_ =	strace $0x80000046;
	[dreg:$0x1] =	wrdreg $0xFFFFFFFF  }
0xad: {  	s28 =	simm.s32 $_size_execute0_lowered;
	s3 =	sadd.s32 s3, s5;
	[dreg:$0x0] =	wrdreg $0x0  }
0xae: {  	s5 =	sshll.u32 s28, $0x1;
	[dreg:$0x2] =	wrdreg s3  }
0xaf: {  	[dreg:$0x3] =	wrdreg s5  }
0xb0: {  	[dreg:$0x4] =	wrdreg $0xC0  }
0xb1: {  	_ =	task [dreg:s7], $0x5FFFF  }
0xb2: {  	[dreg:$0x1] =	wrdreg $0xFFFFFFFF  }
0xb3: {  	[dreg:$0x0] =	wrdreg $0x60  }
0xb4: {  	[dreg:$0x2] =	wrdreg s24  }
0xb5: {  	[dreg:$0x3] =	wrdreg s16  }
0xb6: {  	[dreg:$0x4] =	wrdreg $0x9  }
0xb7: {  	_ =	task.clear_ibuf [dreg:s7], $0x5FFFF;
	_ =	strace $0x90000046  }
0xb8: {  	s29 =	simm.s32 $0x9;
	_ =	strace $0x80000048  }
0xb9: {  	_ =	swait.ge [sflag:s29], $0x1  }
0xba: {  	[sflag:s29] =	ssyncadd.s32 $0xFFFFFFFF  }
0xbb: {  	_ =	strace $0x90000048  }
0xbc: {  	_ =	sfence  }
0xbd: {  	s30 =	sld [smem:$0x0];
	_ =	sdelay $0x2  }
0xbe: {  	s31 =	sshll.u32 s1, $0xD;
	s1 =	sshrl.u32 s1, $0x2  }
0xbf: {  	s3 =	sand.u32 $0x4000, s31;
	s1 =	sadd.s32 s1, s30  }
0xc0: {  	s0 =	sor.u32 s3, s0;
	s1 =	sshll.u32 s1, $0x11  }
0xc1: {  	s0 =	sor.u32 s1, s0  }
0xc2: {  	s0 =	sadd.s32 $0x8F2B, s0  }
0xc3: {  	[sflag:s0] =	ssyncadd.remote.s32 $0x1  }
0xc4: {  	_ =	sfence.sel $0xFFFF  }
0xc5: {  	[dreg:$0x0] =	wrdreg $0xFFFFFFFF;
	(pc) =	sbr.abs _section_cstart, $3  }
0xc6: {  	[dreg:$0x1] =	wrdreg $0xFFFFFFFF  }
0xc7: {  	_ =	task.clear_ibuf [dreg:s7], $0x2FFFF;
	_ =	strace $0x9FFFFFFF  }
0xc8: {  	(tm) =	ssettm $0x7FFFFFFF  }
0xc9: {  	_ =	shalt  }
tec
execute0_lowered:
.L_overlay_start_1:
0x0: {  	(tag) =	ssettag $0x1  }
0x1: {  	s1 =	srdreg.scid;
	s0 =	stileid.u32  }
0x2: {  	s1 =	sand.u32 $0x1, s1;
	s2 =	sshll.u32 s0, $0x1  }
0x3: {  	s5 =	rddreg [dreg:$0x0];
	s4 =	sor.u32 s1, s2  }
0x4: {  	s3 =	rddreg [dreg:$0x1];
	s2 =	simm.s32 $0x0;
	s6 =	smul.u32 $0x9000, s4  }
0x5: {  	[smem:$0x7FF] =	sst s2;
	s7 =	smul.u32 $0x48000, s4;
	s4 =	sshll.u32 s4, $0x8  }
0x6: {  	s8 =	sadd.s32 $0x48E00, s5;
	_ =	strace $0x80000047;
	s4 =	sadd.s32 s3, s4  }
0x7: {  	s3 =	sadd.s32 s8, s6;
	s16 =	sshrl.u32 s7, $0x3;
	[dreg:$0x3] =	wrdreg s4  }
0x8: {  	s17 =	sadd.s32 $0x900, s3;
	s31 =	sadd.s32 s8, s16;
	s25 =	rddreg [dreg:$0x3]  }
0x9: {  	[dreg:$0x4] =	wrdreg s17;
	s18 =	sadd.s32 $0x1200, s31  }
0xa: {  	[tilespmem:s2], [sflag:$0x3] =	stream.linear.gather [hbm4b:s25+s2], $0x800, $0x38;
	[tilespmem:$0x9800] =	vst v63  }
0xb: {  	s19 =	sadd.s32 $0x1B00, s31;
	[dreg:$0x5] =	wrdreg s18  }
0xc: {  	s20 =	sadd.s32 $0x2400, s31;
	[dreg:$0x6] =	wrdreg s19  }
0xd: {  	s21 =	sadd.s32 $0x2D00, s31;
	[dreg:$0x7] =	wrdreg s20  }
0xe: {  	s22 =	sadd.s32 $0x3600, s31;
	[dreg:$0x8] =	wrdreg s21  }
0xf: {  	s23 =	sadd.s32 $0x3F00, s31;
	[dreg:$0x9] =	wrdreg s22  }
0x10: {  	s24 =	sadd.s32 $0x4800, s31;
	[dreg:$0xa] =	wrdreg s23  }
0x11: {  	s26 =	sadd.s32 $0x5100, s31;
	[dreg:$0xb] =	wrdreg s24  }
0x12: {  	s4 =	simm.s32 $0x3;
	[dreg:$0xc] =	wrdreg s26  }
0x13: {  	_ =	swait.ge [sflag:s4], $0x800  }
0x14: {  	s5 =	sadd.s32 $0xE00, s5;
	[sflag:s4] =	ssyncset.done $0x0  }
0x15: {  	s6 =	simm.s32 $0x80;
	s7 =	simm.s32 $0x800;
	[sflag:s4] =	ssyncadd.s32 $0xFFFFF800  }
0x16: {  	[tilespmem:s7], [sflag:$0x1] =	stream.indirect.gather [hbm4b:s5+s6], $0x90, s2, s6, $0xb8;
	[tilespmem:$0x9800] =	vst v63  }
0x17: {  	s9 =	simm.s32 $0x1;
	s8 =	simm.s32 $0x5000  }
0x18: {  	[tilespmem:s8], [sflag:$0x2] =	stream.indirect.gather [hbm4b:s5+s6], $0x90, s6, s6, $0xb8;
	[tilespmem:$0x9800] =	vst v63  }
0x19: {  	_ =	swait.ge [sflag:s9], $0x4800  }
0x1a: {  	[sflag:s9] =	ssyncset.done $0x0  }
0x1b: {  	[sflag:s9] =	ssyncadd.s32 $0xFFFFB800  }
0x1c: {  	[hbm4b:s3+s2] =	stream.linear.scatter [tilespmem:s7], [sflag:$0x3], $0x4800, $0x38;
	[tilespmem:$0x9800] =	vst v63  }
0x1d: {  	_ =	swait.ge [sflag:s4], $0x4800  }
0x1e: {  	[sflag:s4] =	ssyncset.done $0x0  }
0x1f: {  	s10 =	simm.s32 $0x100;
	s11 =	simm.s32 $0x2;
	[sflag:s4] =	ssyncadd.s32 $0xFFFFB800  }
0x20: {  	[tilespmem:s7], [sflag:$0x1] =	stream.indirect.gather [hbm4b:s5+s6], $0x90, s10, s6, $0xb8;
	[tilespmem:$0x9800] =	vst v63  }
0x21: {  	_ =	swait.ge [sflag:s11], $0x4800  }
0x22: {  	[sflag:s11] =	ssyncset.done $0x0  }
0x23: {  	s12 =	rddreg [dreg:$0x4];
	[sflag:s11] =	ssyncadd.s32 $0xFFFFB800  }
0x24: {  	[hbm4b:s12+s2] =	stream.linear.scatter [tilespmem:s8], [sflag:$0x3], $0x4800, $0x38;
	[tilespmem:$0x9800] =	vst v63  }
0x25: {  	_ =	swait.ge [sflag:s4], $0x4800  }
0x26: {  	[sflag:s4] =	ssyncset.done $0x0  }
0x27: {  	s12 =	simm.s32 $0x180;
	[sflag:s4] =	ssyncadd.s32 $0xFFFFB800  }
0x28: {  	[tilespmem:s8], [sflag:$0x2] =	stream.indirect.gather [hbm4b:s5+s6], $0x90, s12, s6, $0xb8;
	[tilespmem:$0x9800] =	vst v63  }
0x29: {  	_ =	swait.ge [sflag:s9], $0x4800  }
0x2a: {  	[sflag:s9] =	ssyncset.done $0x0  }
0x2b: {  	s13 =	rddreg [dreg:$0x5];
	[sflag:s9] =	ssyncadd.s32 $0xFFFFB800  }
0x2c: {  	[hbm4b:s13+s2] =	stream.linear.scatter [tilespmem:s7], [sflag:$0x3], $0x4800, $0x38;
	[tilespmem:$0x9800] =	vst v63  }
0x2d: {  	_ =	swait.ge [sflag:s4], $0x4800  }
0x2e: {  	[sflag:s4] =	ssyncset.done $0x0  }
0x2f: {  	s13 =	simm.s32 $0x200;
	[sflag:s4] =	ssyncadd.s32 $0xFFFFB800  }
0x30: {  	[tilespmem:s7], [sflag:$0x1] =	stream.indirect.gather [hbm4b:s5+s6], $0x90, s13, s6, $0xb8;
	[tilespmem:$0x9800] =	vst v63  }
0x31: {  	_ =	swait.ge [sflag:s11], $0x4800  }
0x32: {  	[sflag:s11] =	ssyncset.done $0x0  }
0x33: {  	s14 =	rddreg [dreg:$0x6];
	[sflag:s11] =	ssyncadd.s32 $0xFFFFB800  }
0x34: {  	[hbm4b:s14+s2] =	stream.linear.scatter [tilespmem:s8], [sflag:$0x3], $0x4800, $0x38;
	[tilespmem:$0x9800] =	vst v63  }
0x35: {  	_ =	swait.ge [sflag:s4], $0x4800  }
0x36: {  	[sflag:s4] =	ssyncset.done $0x0  }
0x37: {  	s14 =	simm.s32 $0x280;
	[sflag:s4] =	ssyncadd.s32 $0xFFFFB800  }
0x38: {  	[tilespmem:s8], [sflag:$0x2] =	stream.indirect.gather [hbm4b:s5+s6], $0x90, s14, s6, $0xb8;
	[tilespmem:$0x9800] =	vst v63  }
0x39: {  	_ =	swait.ge [sflag:s9], $0x4800  }
0x3a: {  	[sflag:s9] =	ssyncset.done $0x0  }
0x3b: {  	s15 =	rddreg [dreg:$0x7];
	[sflag:s9] =	ssyncadd.s32 $0xFFFFB800  }
0x3c: {  	[hbm4b:s15+s2] =	stream.linear.scatter [tilespmem:s7], [sflag:$0x3], $0x4800, $0x38;
	[tilespmem:$0x9800] =	vst v63  }
0x3d: {  	_ =	swait.ge [sflag:s4], $0x4800  }
0x3e: {  	[sflag:s4] =	ssyncset.done $0x0  }
0x3f: {  	s15 =	simm.s32 $0x300;
	[sflag:s4] =	ssyncadd.s32 $0xFFFFB800  }
0x40: {  	[tilespmem:s7], [sflag:$0x1] =	stream.indirect.gather [hbm4b:s5+s6], $0x90, s15, s6, $0xb8;
	[tilespmem:$0x9800] =	vst v63  }
0x41: {  	_ =	swait.ge [sflag:s11], $0x4800  }
0x42: {  	[sflag:s11] =	ssyncset.done $0x0  }
0x43: {  	s16 =	rddreg [dreg:$0x8];
	[sflag:s11] =	ssyncadd.s32 $0xFFFFB800  }
0x44: {  	[hbm4b:s16+s2] =	stream.linear.scatter [tilespmem:s8], [sflag:$0x3], $0x4800, $0x38;
	[tilespmem:$0x9800] =	vst v63  }
0x45: {  	_ =	swait.ge [sflag:s4], $0x4800  }
0x46: {  	[sflag:s4] =	ssyncset.done $0x0  }
0x47: {  	s16 =	simm.s32 $0x380;
	[sflag:s4] =	ssyncadd.s32 $0xFFFFB800  }
0x48: {  	[tilespmem:s8], [sflag:$0x2] =	stream.indirect.gather [hbm4b:s5+s6], $0x90, s16, s6, $0xb8;
	[tilespmem:$0x9800] =	vst v63  }
0x49: {  	_ =	swait.ge [sflag:s9], $0x4800  }
0x4a: {  	[sflag:s9] =	ssyncset.done $0x0  }
0x4b: {  	s17 =	rddreg [dreg:$0x9];
	[sflag:s9] =	ssyncadd.s32 $0xFFFFB800  }
0x4c: {  	[hbm4b:s17+s2] =	stream.linear.scatter [tilespmem:s7], [sflag:$0x3], $0x4800, $0x38;
	[tilespmem:$0x9800] =	vst v63  }
0x4d: {  	_ =	swait.ge [sflag:s4], $0x4800  }
0x4e: {  	[sflag:s4] =	ssyncset.done $0x0  }
0x4f: {  	s17 =	simm.s32 $0x400;
	[sflag:s4] =	ssyncadd.s32 $0xFFFFB800  }
0x50: {  	[tilespmem:s7], [sflag:$0x1] =	stream.indirect.gather [hbm4b:s5+s6], $0x90, s17, s6, $0xb8;
	[tilespmem:$0x9800] =	vst v63  }
0x51: {  	_ =	swait.ge [sflag:s11], $0x4800  }
0x52: {  	[sflag:s11] =	ssyncset.done $0x0  }
0x53: {  	s18 =	rddreg [dreg:$0xa];
	[sflag:s11] =	ssyncadd.s32 $0xFFFFB800  }
0x54: {  	[hbm4b:s18+s2] =	stream.linear.scatter [tilespmem:s8], [sflag:$0x3], $0x4800, $0x38;
	[tilespmem:$0x9800] =	vst v63  }
0x55: {  	_ =	swait.ge [sflag:s4], $0x4800  }
0x56: {  	[sflag:s4] =	ssyncset.done $0x0  }
0x57: {  	s18 =	simm.s32 $0x480;
	[sflag:s4] =	ssyncadd.s32 $0xFFFFB800  }
0x58: {  	[tilespmem:s8], [sflag:$0x2] =	stream.indirect.gather [hbm4b:s5+s6], $0x90, s18, s6, $0xb8;
	[tilespmem:$0x9800] =	vst v63  }
0x59: {  	_ =	swait.ge [sflag:s9], $0x4800  }
0x5a: {  	[sflag:s9] =	ssyncset.done $0x0  }
0x5b: {  	s19 =	rddreg [dreg:$0xb];
	[sflag:s9] =	ssyncadd.s32 $0xFFFFB800  }
0x5c: {  	[hbm4b:s19+s2] =	stream.linear.scatter [tilespmem:s7], [sflag:$0x3], $0x4800, $0x38;
	[tilespmem:$0x9800] =	vst v63  }
0x5d: {  	_ =	swait.ge [sflag:s4], $0x4800  }
0x5e: {  	[sflag:s4] =	ssyncset.done $0x0  }
0x5f: {  	s19 =	simm.s32 $0x500;
	[sflag:s4] =	ssyncadd.s32 $0xFFFFB800  }
0x60: {  	[tilespmem:s7], [sflag:$0x1] =	stream.indirect.gather [hbm4b:s5+s6], $0x90, s19, s6, $0xb8;
	[tilespmem:$0x9800] =	vst v63  }
0x61: {  	_ =	swait.ge [sflag:s11], $0x4800  }
0x62: {  	[sflag:s11] =	ssyncset.done $0x0  }
0x63: {  	s20 =	rddreg [dreg:$0xc];
	[sflag:s11] =	ssyncadd.s32 $0xFFFFB800  }
0x64: {  	[hbm4b:s20+s2] =	stream.linear.scatter [tilespmem:s8], [sflag:$0x3], $0x4800, $0x38;
	[tilespmem:$0x9800] =	vst v63  }
0x65: {  	_ =	swait.ge [sflag:s4], $0x4800  }
0x66: {  	[sflag:s4] =	ssyncset.done $0x0  }
0x67: {  	s20 =	simm.s32 $0x580;
	[sflag:s4] =	ssyncadd.s32 $0xFFFFB800  }
0x68: {  	[tilespmem:s8], [sflag:$0x2] =	stream.indirect.gather [hbm4b:s5+s6], $0x90, s20, s6, $0xb8;
	[tilespmem:$0x9800] =	vst v63  }
0x69: {  	_ =	swait.ge [sflag:s9], $0x4800  }
0x6a: {  	[sflag:s9] =	ssyncset.done $0x0  }
0x6b: {  	s21 =	sadd.s32 $0x5A00, s31;
	[sflag:s9] =	ssyncadd.s32 $0xFFFFB800  }
0x6c: {  	[hbm4b:s21+s2] =	stream.linear.scatter [tilespmem:s7], [sflag:$0x3], $0x4800, $0x38;
	[tilespmem:$0x9800] =	vst v63  }
0x6d: {  	_ =	swait.ge [sflag:s4], $0x4800  }
0x6e: {  	[sflag:s4] =	ssyncset.done $0x0  }
0x6f: {  	s22 =	simm.s32 $0x600;
	[sflag:s4] =	ssyncadd.s32 $0xFFFFB800  }
0x70: {  	[tilespmem:s7], [sflag:$0x1] =	stream.indirect.gather [hbm4b:s5+s6], $0x90, s22, s6, $0xb8;
	[tilespmem:$0x9800] =	vst v63  }
0x71: {  	_ =	swait.ge [sflag:s11], $0x4800  }
0x72: {  	[sflag:s11] =	ssyncset.done $0x0  }
0x73: {  	s23 =	sadd.s32 $0x6300, s31;
	[sflag:s11] =	ssyncadd.s32 $0xFFFFB800  }
0x74: {  	[hbm4b:s23+s2] =	stream.linear.scatter [tilespmem:s8], [sflag:$0x3], $0x4800, $0x38;
	[tilespmem:$0x9800] =	vst v63  }
0x75: {  	_ =	swait.ge [sflag:s4], $0x4800  }
0x76: {  	[sflag:s4] =	ssyncset.done $0x0  }
0x77: {  	s24 =	simm.s32 $0x680;
	[sflag:s4] =	ssyncadd.s32 $0xFFFFB800  }
0x78: {  	[tilespmem:s8], [sflag:$0x2] =	stream.indirect.gather [hbm4b:s5+s6], $0x90, s24, s6, $0xb8;
	[tilespmem:$0x9800] =	vst v63  }
0x79: {  	_ =	swait.ge [sflag:s9], $0x4800  }
0x7a: {  	[sflag:s9] =	ssyncset.done $0x0  }
0x7b: {  	s25 =	sadd.s32 $0x6C00, s31;
	[sflag:s9] =	ssyncadd.s32 $0xFFFFB800  }
0x7c: {  	[hbm4b:s25+s2] =	stream.linear.scatter [tilespmem:s7], [sflag:$0x3], $0x4800, $0x38;
	[tilespmem:$0x9800] =	vst v63  }
0x7d: {  	_ =	swait.ge [sflag:s4], $0x4800  }
0x7e: {  	[sflag:s4] =	ssyncset.done $0x0  }
0x7f: {  	s26 =	simm.s32 $0x700;
	[sflag:s4] =	ssyncadd.s32 $0xFFFFB800  }
0x80: {  	[tilespmem:s7], [sflag:$0x1] =	stream.indirect.gather [hbm4b:s5+s6], $0x90, s26, s6, $0xb8;
	[tilespmem:$0x9800] =	vst v63  }
0x81: {  	_ =	swait.ge [sflag:s11], $0x4800  }
0x82: {  	[sflag:s11] =	ssyncset.done $0x0  }
0x83: {  	s28 =	sadd.s32 $0x7500, s31;
	[sflag:s11] =	ssyncadd.s32 $0xFFFFB800  }
0x84: {  	[hbm4b:s28+s2] =	stream.linear.scatter [tilespmem:s8], [sflag:$0x3], $0x4800, $0x38;
	[tilespmem:$0x9800] =	vst v63  }
0x85: {  	_ =	swait.ge [sflag:s4], $0x4800  }
0x86: {  	[sflag:s4] =	ssyncset.done $0x0  }
0x87: {  	s29 =	simm.s32 $0x780;
	[sflag:s4] =	ssyncadd.s32 $0xFFFFB800  }
0x88: {  	[tilespmem:s8], [sflag:$0x2] =	stream.indirect.gather [hbm4b:s5+s6], $0x90, s29, s6, $0xb8;
	[tilespmem:$0x9800] =	vst v63  }
0x89: {  	_ =	swait.ge [sflag:s9], $0x4800  }
0x8a: {  	s1 =	ssub.s32 $0x2, s1;
	[sflag:s9] =	ssyncset.done $0x0  }
0x8b: {  	s0 =	sshrl.u32 s1, $0x1;
	s30 =	sadd.s32 $0x7E00, s31;
	[sflag:s9] =	ssyncadd.s32 $0xFFFFB800  }
0x8c: {  	[hbm4b:s30+s2] =	stream.linear.scatter [tilespmem:s7], [sflag:$0x3], $0x4800, $0x38;
	[tilespmem:$0x9800] =	vst v63  }
0x8d: {  	s0 =	ssub.s32 s1, s0;
	_ =	swait.ge [sflag:s4], $0x4800  }
0x8e: {  	s0 =	smax.u32 s0, $0x1;
	[sflag:s4] =	ssyncset.done $0x0  }
0x8f: {  	p0 =	sne.s32 s0, $0x1;
	[sflag:s4] =	ssyncadd.s32 $0xFFFFB800  }
.Ltmp0:
0x90: {  	_ =	swait.ge [sflag:s11], $0x4800;
	(pc) =	sbr.rel @!p0 .LBB2_2-.Ltmp0, $4  }
0x91: {  	[sflag:s11] =	ssyncset.done $0x0  }
0x92: {  	s31 =	sadd.s32 $0x8700, s31;
	[sflag:s11] =	ssyncadd.s32 $0xFFFFB800  }
0x93: {  	[hbm4b:s31+s2] =	stream.linear.scatter [tilespmem:s8], [sflag:$0x3], $0x4800, $0x38;
	[tilespmem:$0x9800] =	vst v63  }
0x94: {  	s1 =	sadd.s32 $0xFFFFFFFF, s0;
	_ =	swait.ge [sflag:s4], $0x4800  }
.LBB2_1:
0x95: {  	[sflag:s4] =	ssyncset.done $0x0  }
0x96: {  	s0 =	rddreg [dreg:$0x3];
	[sflag:s4] =	ssyncadd.s32 $0xFFFFB800  }
0x97: {  	[tilespmem:s2], [sflag:$0x3] =	stream.linear.gather [hbm4b:s0+s2], $0x800, $0x38;
	[tilespmem:$0x9800] =	vst v63  }
0x98: {  	_ =	swait.ge [sflag:s4], $0x800  }
0x99: {  	[sflag:s4] =	ssyncset.done $0x0  }
0x9a: {  	[sflag:s4] =	ssyncadd.s32 $0xFFFFF800  }
0x9b: {  	[tilespmem:s7], [sflag:$0x1] =	stream.indirect.gather [hbm4b:s5+s6], $0x90, s2, s6, $0xb8;
	[tilespmem:$0x9800] =	vst v63  }
0x9c: {  	_ = 	snop  }
0x9d: {  	[tilespmem:s8], [sflag:$0x2] =	stream.indirect.gather [hbm4b:s5+s6], $0x90, s6, s6, $0xb8;
	[tilespmem:$0x9800] =	vst v63  }
0x9e: {  	_ =	swait.ge [sflag:s9], $0x4800  }
0x9f: {  	[sflag:s9] =	ssyncset.done $0x0  }
0xa0: {  	[sflag:s9] =	ssyncadd.s32 $0xFFFFB800  }
0xa1: {  	[hbm4b:s3+s2] =	stream.linear.scatter [tilespmem:s7], [sflag:$0x3], $0x4800, $0x38;
	[tilespmem:$0x9800] =	vst v63  }
0xa2: {  	_ =	swait.ge [sflag:s4], $0x4800  }
0xa3: {  	[sflag:s4] =	ssyncset.done $0x0  }
0xa4: {  	[sflag:s4] =	ssyncadd.s32 $0xFFFFB800  }
0xa5: {  	[tilespmem:s7], [sflag:$0x1] =	stream.indirect.gather [hbm4b:s5+s6], $0x90, s10, s6, $0xb8;
	[tilespmem:$0x9800] =	vst v63  }
0xa6: {  	_ =	swait.ge [sflag:s11], $0x4800  }
0xa7: {  	[sflag:s11] =	ssyncset.done $0x0  }
0xa8: {  	s0 =	rddreg [dreg:$0x4];
	[sflag:s11] =	ssyncadd.s32 $0xFFFFB800  }
0xa9: {  	[hbm4b:s0+s2] =	stream.linear.scatter [tilespmem:s8], [sflag:$0x3], $0x4800, $0x38;
	[tilespmem:$0x9800] =	vst v63  }
0xaa: {  	_ =	swait.ge [sflag:s4], $0x4800  }
0xab: {  	[sflag:s4] =	ssyncset.done $0x0  }
0xac: {  	[sflag:s4] =	ssyncadd.s32 $0xFFFFB800  }
0xad: {  	[tilespmem:s8], [sflag:$0x2] =	stream.indirect.gather [hbm4b:s5+s6], $0x90, s12, s6, $0xb8;
	[tilespmem:$0x9800] =	vst v63  }
0xae: {  	_ =	swait.ge [sflag:s9], $0x4800  }
0xaf: {  	[sflag:s9] =	ssyncset.done $0x0  }
0xb0: {  	s0 =	rddreg [dreg:$0x5];
	[sflag:s9] =	ssyncadd.s32 $0xFFFFB800  }
0xb1: {  	[hbm4b:s0+s2] =	stream.linear.scatter [tilespmem:s7], [sflag:$0x3], $0x4800, $0x38;
	[tilespmem:$0x9800] =	vst v63  }
0xb2: {  	_ =	swait.ge [sflag:s4], $0x4800  }
0xb3: {  	[sflag:s4] =	ssyncset.done $0x0  }
0xb4: {  	[sflag:s4] =	ssyncadd.s32 $0xFFFFB800  }
0xb5: {  	[tilespmem:s7], [sflag:$0x1] =	stream.indirect.gather [hbm4b:s5+s6], $0x90, s13, s6, $0xb8;
	[tilespmem:$0x9800] =	vst v63  }
0xb6: {  	_ =	swait.ge [sflag:s11], $0x4800  }
0xb7: {  	[sflag:s11] =	ssyncset.done $0x0  }
0xb8: {  	s0 =	rddreg [dreg:$0x6];
	[sflag:s11] =	ssyncadd.s32 $0xFFFFB800  }
0xb9: {  	[hbm4b:s0+s2] =	stream.linear.scatter [tilespmem:s8], [sflag:$0x3], $0x4800, $0x38;
	[tilespmem:$0x9800] =	vst v63  }
0xba: {  	_ =	swait.ge [sflag:s4], $0x4800  }
0xbb: {  	[sflag:s4] =	ssyncset.done $0x0  }
0xbc: {  	[sflag:s4] =	ssyncadd.s32 $0xFFFFB800  }
0xbd: {  	[tilespmem:s8], [sflag:$0x2] =	stream.indirect.gather [hbm4b:s5+s6], $0x90, s14, s6, $0xb8;
	[tilespmem:$0x9800] =	vst v63  }
0xbe: {  	_ =	swait.ge [sflag:s9], $0x4800  }
0xbf: {  	[sflag:s9] =	ssyncset.done $0x0  }
0xc0: {  	s0 =	rddreg [dreg:$0x7];
	[sflag:s9] =	ssyncadd.s32 $0xFFFFB800  }
0xc1: {  	[hbm4b:s0+s2] =	stream.linear.scatter [tilespmem:s7], [sflag:$0x3], $0x4800, $0x38;
	[tilespmem:$0x9800] =	vst v63  }
0xc2: {  	_ =	swait.ge [sflag:s4], $0x4800  }
0xc3: {  	[sflag:s4] =	ssyncset.done $0x0  }
0xc4: {  	[sflag:s4] =	ssyncadd.s32 $0xFFFFB800  }
0xc5: {  	[tilespmem:s7], [sflag:$0x1] =	stream.indirect.gather [hbm4b:s5+s6], $0x90, s15, s6, $0xb8;
	[tilespmem:$0x9800] =	vst v63  }
0xc6: {  	_ =	swait.ge [sflag:s11], $0x4800  }
0xc7: {  	[sflag:s11] =	ssyncset.done $0x0  }
0xc8: {  	s0 =	rddreg [dreg:$0x8];
	[sflag:s11] =	ssyncadd.s32 $0xFFFFB800  }
0xc9: {  	[hbm4b:s0+s2] =	stream.linear.scatter [tilespmem:s8], [sflag:$0x3], $0x4800, $0x38;
	[tilespmem:$0x9800] =	vst v63  }
0xca: {  	_ =	swait.ge [sflag:s4], $0x4800  }
0xcb: {  	[sflag:s4] =	ssyncset.done $0x0  }
0xcc: {  	[sflag:s4] =	ssyncadd.s32 $0xFFFFB800  }
0xcd: {  	[tilespmem:s8], [sflag:$0x2] =	stream.indirect.gather [hbm4b:s5+s6], $0x90, s16, s6, $0xb8;
	[tilespmem:$0x9800] =	vst v63  }
0xce: {  	_ =	swait.ge [sflag:s9], $0x4800  }
0xcf: {  	[sflag:s9] =	ssyncset.done $0x0  }
0xd0: {  	s0 =	rddreg [dreg:$0x9];
	[sflag:s9] =	ssyncadd.s32 $0xFFFFB800  }
0xd1: {  	[hbm4b:s0+s2] =	stream.linear.scatter [tilespmem:s7], [sflag:$0x3], $0x4800, $0x38;
	[tilespmem:$0x9800] =	vst v63  }
0xd2: {  	_ =	swait.ge [sflag:s4], $0x4800  }
0xd3: {  	[sflag:s4] =	ssyncset.done $0x0  }
0xd4: {  	[sflag:s4] =	ssyncadd.s32 $0xFFFFB800  }
0xd5: {  	[tilespmem:s7], [sflag:$0x1] =	stream.indirect.gather [hbm4b:s5+s6], $0x90, s17, s6, $0xb8;
	[tilespmem:$0x9800] =	vst v63  }
0xd6: {  	_ =	swait.ge [sflag:s11], $0x4800  }
0xd7: {  	[sflag:s11] =	ssyncset.done $0x0  }
0xd8: {  	s0 =	rddreg [dreg:$0xa];
	[sflag:s11] =	ssyncadd.s32 $0xFFFFB800  }
0xd9: {  	[hbm4b:s0+s2] =	stream.linear.scatter [tilespmem:s8], [sflag:$0x3], $0x4800, $0x38;
	[tilespmem:$0x9800] =	vst v63  }
0xda: {  	_ =	swait.ge [sflag:s4], $0x4800  }
0xdb: {  	[sflag:s4] =	ssyncset.done $0x0  }
0xdc: {  	[sflag:s4] =	ssyncadd.s32 $0xFFFFB800  }
0xdd: {  	[tilespmem:s8], [sflag:$0x2] =	stream.indirect.gather [hbm4b:s5+s6], $0x90, s18, s6, $0xb8;
	[tilespmem:$0x9800] =	vst v63  }
0xde: {  	_ =	swait.ge [sflag:s9], $0x4800  }
0xdf: {  	[sflag:s9] =	ssyncset.done $0x0  }
0xe0: {  	s0 =	rddreg [dreg:$0xb];
	[sflag:s9] =	ssyncadd.s32 $0xFFFFB800  }
0xe1: {  	[hbm4b:s0+s2] =	stream.linear.scatter [tilespmem:s7], [sflag:$0x3], $0x4800, $0x38;
	[tilespmem:$0x9800] =	vst v63  }
0xe2: {  	_ =	swait.ge [sflag:s4], $0x4800  }
0xe3: {  	[sflag:s4] =	ssyncset.done $0x0  }
0xe4: {  	[sflag:s4] =	ssyncadd.s32 $0xFFFFB800  }
0xe5: {  	[tilespmem:s7], [sflag:$0x1] =	stream.indirect.gather [hbm4b:s5+s6], $0x90, s19, s6, $0xb8;
	[tilespmem:$0x9800] =	vst v63  }
0xe6: {  	_ =	swait.ge [sflag:s11], $0x4800  }
0xe7: {  	[sflag:s11] =	ssyncset.done $0x0  }
0xe8: {  	s0 =	rddreg [dreg:$0xc];
	[sflag:s11] =	ssyncadd.s32 $0xFFFFB800  }
0xe9: {  	[hbm4b:s0+s2] =	stream.linear.scatter [tilespmem:s8], [sflag:$0x3], $0x4800, $0x38;
	[tilespmem:$0x9800] =	vst v63  }
0xea: {  	_ =	swait.ge [sflag:s4], $0x4800  }
0xeb: {  	[sflag:s4] =	ssyncset.done $0x0  }
0xec: {  	[sflag:s4] =	ssyncadd.s32 $0xFFFFB800  }
0xed: {  	[tilespmem:s8], [sflag:$0x2] =	stream.indirect.gather [hbm4b:s5+s6], $0x90, s20, s6, $0xb8;
	[tilespmem:$0x9800] =	vst v63  }
0xee: {  	_ =	swait.ge [sflag:s9], $0x4800  }
0xef: {  	[sflag:s9] =	ssyncset.done $0x0  }
0xf0: {  	[sflag:s9] =	ssyncadd.s32 $0xFFFFB800  }
0xf1: {  	[hbm4b:s21+s2] =	stream.linear.scatter [tilespmem:s7], [sflag:$0x3], $0x4800, $0x38;
	[tilespmem:$0x9800] =	vst v63  }
0xf2: {  	_ =	swait.ge [sflag:s4], $0x4800  }
0xf3: {  	[sflag:s4] =	ssyncset.done $0x0  }
0xf4: {  	[sflag:s4] =	ssyncadd.s32 $0xFFFFB800  }
0xf5: {  	[tilespmem:s7], [sflag:$0x1] =	stream.indirect.gather [hbm4b:s5+s6], $0x90, s22, s6, $0xb8;
	[tilespmem:$0x9800] =	vst v63  }
0xf6: {  	_ =	swait.ge [sflag:s11], $0x4800  }
0xf7: {  	[sflag:s11] =	ssyncset.done $0x0  }
0xf8: {  	[sflag:s11] =	ssyncadd.s32 $0xFFFFB800  }
0xf9: {  	[hbm4b:s23+s2] =	stream.linear.scatter [tilespmem:s8], [sflag:$0x3], $0x4800, $0x38;
	[tilespmem:$0x9800] =	vst v63  }
0xfa: {  	_ =	swait.ge [sflag:s4], $0x4800  }
0xfb: {  	[sflag:s4] =	ssyncset.done $0x0  }
0xfc: {  	[sflag:s4] =	ssyncadd.s32 $0xFFFFB800  }
0xfd: {  	[tilespmem:s8], [sflag:$0x2] =	stream.indirect.gather [hbm4b:s5+s6], $0x90, s24, s6, $0xb8;
	[tilespmem:$0x9800] =	vst v63  }
0xfe: {  	_ =	swait.ge [sflag:s9], $0x4800  }
0xff: {  	[sflag:s9] =	ssyncset.done $0x0  }
0x100: {  	[sflag:s9] =	ssyncadd.s32 $0xFFFFB800  }
0x101: {  	[hbm4b:s25+s2] =	stream.linear.scatter [tilespmem:s7], [sflag:$0x3], $0x4800, $0x38;
	[tilespmem:$0x9800] =	vst v63  }
0x102: {  	_ =	swait.ge [sflag:s4], $0x4800  }
0x103: {  	[sflag:s4] =	ssyncset.done $0x0  }
0x104: {  	[sflag:s4] =	ssyncadd.s32 $0xFFFFB800  }
0x105: {  	[tilespmem:s7], [sflag:$0x1] =	stream.indirect.gather [hbm4b:s5+s6], $0x90, s26, s6, $0xb8;
	[tilespmem:$0x9800] =	vst v63  }
0x106: {  	_ =	swait.ge [sflag:s11], $0x4800  }
0x107: {  	[sflag:s11] =	ssyncset.done $0x0  }
0x108: {  	[sflag:s11] =	ssyncadd.s32 $0xFFFFB800  }
0x109: {  	[hbm4b:s28+s2] =	stream.linear.scatter [tilespmem:s8], [sflag:$0x3], $0x4800, $0x38;
	[tilespmem:$0x9800] =	vst v63  }
0x10a: {  	_ =	swait.ge [sflag:s4], $0x4800  }
0x10b: {  	[sflag:s4] =	ssyncset.done $0x0  }
0x10c: {  	[sflag:s4] =	ssyncadd.s32 $0xFFFFB800  }
0x10d: {  	[tilespmem:s8], [sflag:$0x2] =	stream.indirect.gather [hbm4b:s5+s6], $0x90, s29, s6, $0xb8;
	[tilespmem:$0x9800] =	vst v63  }
0x10e: {  	_ =	swait.ge [sflag:s9], $0x4800  }
0x10f: {  	[sflag:s9] =	ssyncset.done $0x0  }
0x110: {  	[sflag:s9] =	ssyncadd.s32 $0xFFFFB800  }
0x111: {  	[hbm4b:s30+s2] =	stream.linear.scatter [tilespmem:s7], [sflag:$0x3], $0x4800, $0x38;
	[tilespmem:$0x9800] =	vst v63  }
0x112: {  	_ =	swait.ge [sflag:s4], $0x4800  }
0x113: {  	[sflag:s4] =	ssyncset.done $0x0  }
0x114: {  	p0 =	sne.s32 s1, $0x1;
	[sflag:s4] =	ssyncadd.s32 $0xFFFFB800  }
.Ltmp1:
0x115: {  	_ =	swait.ge [sflag:s11], $0x4800;
	(pc) =	sbr.rel @p0 .LBB2_1-.Ltmp1, $4  }
0x116: {  	[sflag:s11] =	ssyncset.done $0x0  }
0x117: {  	[sflag:s11] =	ssyncadd.s32 $0xFFFFB800  }
0x118: {  	[hbm4b:s31+s2] =	stream.linear.scatter [tilespmem:s8], [sflag:$0x3], $0x4800, $0x38;
	[tilespmem:$0x9800] =	vst v63  }
0x119: {  	s1 =	sadd.s32 $0xFFFFFFFF, s1;
	_ =	swait.ge [sflag:s4], $0x4800  }
.LBB2_2:
0x11a: {  	[sflag:s4] =	ssyncset.done $0x0  }
0x11b: {  	[sflag:s4] =	ssyncadd.s32 $0xFFFFB800  }
0x11c: {  	_ =	sfence.sel $0x180000  }
0x11d: {  	[bflag:$0x0] =	sbarrier.arrive $0xFFFF  }
0x11e: {  	_ =	strace $0x90000047  }
0x11f: {  	s0 =	stileid.u32;
	[bflag:$0x2] =	sbarrier.arrive $0xFFFF  }
0x120: {  	p0 =	sne.s32 s0, $0x0;
	s0 =	rddreg [dreg:$0x2]  }
0x121: {  	s0 =	sadd.s32 @!p0 $0x100000, s0  }
0x122: {  	[sflag:s0] =	ssyncadd.tile.s32 @!p0 $0x1;
	_ =	shalt  }
.Lfunc_end2:
_tile_overlayer_lowered:
.L_overlay_start_2:
0x123: {  	(tag) =	ssettag $0x2  }
0x124: {  	s0 =	rddreg [dreg:$0x0];
	s2 =	stileid.u32  }
0x125: {  	s1 =	rddreg [dreg:$0x1];
	p0 =	sne.s32 s2, $0x0  }
0x126: {  	s3 =	rddreg [dreg:$0x2];
	[bflag:$0x3] =	sbarrier.arrive $0xFFFF;
	s2 =	simm.s32 @!p0 $0x1C03  }
0x127: {  	[timem:s3], [sflag:s2] =	dma.local @!p0 [hbm:s0], s1  }
0x128: {  	s0 =	simm.s32 @!p0 $0x3  }
0x129: {  	_ =	swait.ge @!p0 [sflag:s0], s1  }
0x12a: {  	s1 =	ssub.s32 @!p0 $0x0, s1;
	[sflag:s0] =	ssyncset.done @!p0 $0x0  }
0x12b: {  	[sflag:s0] =	ssyncadd.s32 @!p0 s1  }
0x12c: {  	[bflag:$0x3] =	sbarrier.arrive $0xFFFF  }
0x12d: {  	_ =	shalt  }

</sc_bundles>
